<compile_context>
chip_gen: v7x
topology: tpu7x:2x2x1
jax: 0.10.2.dev20260603
libtpu: 0.0.44.dev20260713+nightly
codegen_flags: <defaults>
</compile_context>

<pallas_src>
import functools

import jax
import jax.numpy as jnp
from jax import lax
from jax.experimental import pallas as pl
from jax.experimental.pallas import tpu as pltpu
from jax.experimental.pallas import tpu_sc as plsc

_EPS = 1e-05
_T = 2048
_H = 1024
_I = 1024
_E = 64
_K = 2
_MT = 128
_P = 12288
_NT = _P // _MT
_TB = 256


def _sclamp(x, m):
    return jnp.clip(jnp.where(jnp.isnan(x), jnp.zeros_like(x), x), -m, m)


def _dot_t(a, b):
    return lax.dot_general(a, b, (((1,), (1,)), ((), ())),
                           preferred_element_type=jnp.float32)


def _dot_tb(a, b):
    return lax.dot_general(a.astype(jnp.bfloat16), b.astype(jnp.bfloat16),
                           (((1,), (1,)), ((), ())),
                           preferred_element_type=jnp.float32)



def _router_body(x_ref, rw_ref, topi_ref, topw_ref, hist_ref, sumrp_ref,
                 lse2_ref, aux_ref):
    j = pl.program_id(0)
    x = _sclamp(x_ref[...], 1000.0)
    mu = jnp.mean(x, axis=1, keepdims=True)
    var = jnp.mean((x - mu) ** 2, axis=1, keepdims=True)
    hn = _sclamp((x - mu) / jnp.sqrt(var + _EPS), 100.0)
    logits = jnp.clip(_dot_t(hn, rw_ref[...]), -20.0, 20.0)
    m = jnp.max(logits, axis=1, keepdims=True)
    ex = jnp.exp(logits - m)
    se = jnp.sum(ex, axis=1, keepdims=True)
    probs = jnp.clip(ex / se, _EPS, 1.0)
    iota = lax.broadcasted_iota(jnp.int32, probs.shape, 1)
    v1 = jnp.max(probs, axis=1, keepdims=True)
    i1 = jnp.min(jnp.where(probs == v1, iota, _E), axis=1, keepdims=True)
    probs_m = jnp.where(iota == i1, -1.0, probs)
    v2 = jnp.max(probs_m, axis=1, keepdims=True)
    i2 = jnp.min(jnp.where(probs_m == v2, iota, _E), axis=1, keepdims=True)
    s = jnp.maximum(v1 + v2, _EPS)
    topi_ref[...] = jnp.concatenate([i1, i2], axis=1)
    topw_ref[...] = jnp.concatenate([v1 / s, v2 / s], axis=1)

    oh = (iota == i1).astype(jnp.float32) + (iota == i2).astype(jnp.float32)
    hist_t = jnp.sum(oh, axis=0, keepdims=True)
    rp_t = jnp.sum(probs, axis=0, keepdims=True)
    lse = m + jnp.log(se)
    lse2_t = jnp.sum(lse * lse, axis=0, keepdims=True)

    @pl.when(j == 0)
    def _():
        hist_ref[...] = hist_t
        sumrp_ref[...] = rp_t
        lse2_ref[...] = lse2_t

    @pl.when(j > 0)
    def _():
        hist_ref[...] += hist_t
        sumrp_ref[...] += rp_t
        lse2_ref[...] += lse2_t

    @pl.when(j == pl.num_programs(0) - 1)
    def _():
        tpe = hist_ref[...] / float(_T * _K)
        avg = sumrp_ref[...] / float(_T)
        lbl = float(_E) * jnp.sum(tpe * avg, axis=1, keepdims=True)
        aux_ref[...] = lbl + 1e-3 * (lse2_ref[...] / float(_T))


def _router_call(flat, router_w):
    n = _T // _TB
    return pl.pallas_call(
        _router_body,
        grid=(n,),
        in_specs=[
            pl.BlockSpec((_TB, _H), lambda j: (j, 0)),
            pl.BlockSpec((_E, _H), lambda j: (0, 0)),
        ],
        out_specs=[
            pl.BlockSpec((_TB, _K), lambda j: (j, 0)),
            pl.BlockSpec((_TB, _K), lambda j: (j, 0)),
            pl.BlockSpec((1, _E), lambda j: (0, 0)),
            pl.BlockSpec((1, _E), lambda j: (0, 0)),
            pl.BlockSpec((1, 1), lambda j: (0, 0)),
            pl.BlockSpec((1, 1), lambda j: (0, 0)),
        ],
        out_shape=[
            jax.ShapeDtypeStruct((_T, _K), jnp.int32),
            jax.ShapeDtypeStruct((_T, _K), jnp.float32),
            jax.ShapeDtypeStruct((1, _E), jnp.float32),
            jax.ShapeDtypeStruct((1, _E), jnp.float32),
            jax.ShapeDtypeStruct((1, 1), jnp.float32),
            jax.ShapeDtypeStruct((1, 1), jnp.float32),
        ],
    )(flat, router_w)


def _shared_body(x_ref, sg_ref, su_ref, sd_ref, gate_ref, out_ref):
    x = _sclamp(x_ref[...], 1000.0)
    g0 = _dot_tb(x, sg_ref[...])
    g = _sclamp(g0 / (1.0 + jnp.exp(-g0)), 1000.0)
    u = _sclamp(_dot_tb(x, su_ref[...]), 1000.0)
    d = _sclamp(_dot_tb(g * u, sd_ref[...]), 1000.0)
    sig = 1.0 / (1.0 + jnp.exp(-gate_ref[0, 0]))
    out_ref[...] = _sclamp(d * sig, 1000.0)


def _shared_call(flat, sg_w, su_w, sd_w, gate):
    n = _T // _TB
    return pl.pallas_call(
        _shared_body,
        grid=(n,),
        in_specs=[
            pl.BlockSpec((_TB, _H), lambda j: (j, 0)),
            pl.BlockSpec((_I, _H), lambda j: (0, 0)),
            pl.BlockSpec((_I, _H), lambda j: (0, 0)),
            pl.BlockSpec((_H, _I), lambda j: (0, 0)),
            pl.BlockSpec((1, 1), lambda j: (0, 0)),
        ],
        out_specs=pl.BlockSpec((_TB, _H), lambda j: (j, 0)),
        out_shape=jax.ShapeDtypeStruct((_T, _H), jnp.float32),
    )(flat, sg_w, su_w, sd_w, gate)



def _sc_gather_rows(table, idx, n_rows):
    info = plsc.get_sparse_core_info()
    nw = info.num_cores * info.num_subcores
    per_w = n_rows // nw
    ch = 64
    n_ch = per_w // ch
    mesh = plsc.VectorSubcoreMesh(core_axis_name="c", subcore_axis_name="s")

    @functools.partial(
        pl.kernel,
        mesh=mesh,
        out_type=jax.ShapeDtypeStruct((n_rows, _H), jnp.float32),
        scratch_types=[
            pltpu.VMEM((ch,), jnp.int32),
            pltpu.VMEM((ch, _H), jnp.float32),
            pltpu.SemaphoreType.DMA,
        ],
    )
    def gather_k(table_hbm, idx_hbm, out_hbm, idx_v, rows_v, sem):
        wid = lax.axis_index("s") * info.num_cores + lax.axis_index("c")
        base = wid * per_w
        for c in range(n_ch):
            b = base + c * ch
            pltpu.sync_copy(idx_hbm.at[pl.ds(b, ch)], idx_v)
            pltpu.async_copy(table_hbm.at[idx_v], rows_v, sem).wait()
            pltpu.sync_copy(rows_v, out_hbm.at[pl.ds(b, ch)])

    return gather_k(table, idx)



def _ffn_body(te_ref, ta_ref, x_ref, wg_ref, wu_ref, wd_ref, out_ref):
    @pl.when(ta_ref[pl.program_id(0)] > 0)
    def _():
        x = _sclamp(x_ref[...], 1000.0)
        g0 = _dot_tb(x, wg_ref[0])
        g = _sclamp(g0 / (1.0 + jnp.exp(-g0)), 1000.0)
        u = _sclamp(_dot_tb(x, wu_ref[0]), 1000.0)
        out_ref[...] = _sclamp(_dot_tb(g * u, wd_ref[0]), 1000.0)


def _ffn_call(te, ta, x_sorted, eg_w, eu_w, ed_w):
    grid_spec = pltpu.PrefetchScalarGridSpec(
        num_scalar_prefetch=2,
        grid=(_NT,),
        in_specs=[
            pl.BlockSpec((_MT, _H), lambda j, te, ta: (j, 0)),
            pl.BlockSpec((1, _I, _H), lambda j, te, ta: (te[j], 0, 0)),
            pl.BlockSpec((1, _I, _H), lambda j, te, ta: (te[j], 0, 0)),
            pl.BlockSpec((1, _H, _I), lambda j, te, ta: (te[j], 0, 0)),
        ],
        out_specs=pl.BlockSpec((_MT, _H), lambda j, te, ta: (j, 0)),
    )
    return pl.pallas_call(
        _ffn_body,
        grid_spec=grid_spec,
        out_shape=jax.ShapeDtypeStruct((_P, _H), jnp.float32),
    )(te, ta, x_sorted, eg_w, eu_w, ed_w)



def _combine_body(sh_ref, y0_ref, y1_ref, tw_ref, out_ref):
    w0 = tw_ref[:, 0:1]
    w1 = tw_ref[:, 1:2]
    y = w0 * y0_ref[0] + w1 * y1_ref[0]
    out_ref[...] = _sclamp(y + sh_ref[...], 1000.0)


def _combine_call(shared, y_pair, topw):
    n = _T // _TB
    return pl.pallas_call(
        _combine_body,
        grid=(n,),
        in_specs=[
            pl.BlockSpec((_TB, _H), lambda j: (j, 0)),
            pl.BlockSpec((1, _TB, _H), lambda j: (0, j, 0)),
            pl.BlockSpec((1, _TB, _H), lambda j: (1, j, 0)),
            pl.BlockSpec((_TB, _K), lambda j: (j, 0)),
        ],
        out_specs=pl.BlockSpec((_TB, _H), lambda j: (j, 0)),
        out_shape=jax.ShapeDtypeStruct((_T, _H), jnp.float32),
    )(shared, y_pair, y_pair, topw)



def kernel(hidden_states, router_w, eg_w, eu_w, ed_w, sg_w, su_w, sd_w,
           shared_gate):
    B, S, H = hidden_states.shape
    flat = hidden_states.reshape(B * S, H)

    topi, topw, _hist, _sumrp, _lse2, aux = _router_call(flat, router_w)

    e_flat = topi.reshape(_T * _K)
    oh = (e_flat[:, None] == jnp.arange(_E)[None, :]).astype(jnp.int32)
    csum = jnp.cumsum(oh, axis=0)
    counts = csum[-1]
    rank = jnp.sum(oh * (csum - 1), axis=1)
    aligned = ((counts + _MT - 1) // _MT) * _MT
    cum_aligned = jnp.cumsum(aligned)
    offs = cum_aligned - aligned
    pos = offs[e_flat] + rank
    tok = (jnp.arange(_T * _K, dtype=jnp.int32) // _K)
    pad_src = (jnp.arange(_P, dtype=jnp.int32) % _T)
    row_src = pad_src.at[pos].set(tok)
    inv = pos.reshape(_T, _K).T.reshape(-1).astype(jnp.int32)
    tile_start = jnp.arange(_NT, dtype=jnp.int32) * _MT
    te = jnp.clip(jnp.searchsorted(cum_aligned, tile_start, side='right'),
                  0, _E - 1).astype(jnp.int32)
    ta = (tile_start < cum_aligned[-1]).astype(jnp.int32)

    shared = _shared_call(flat, sg_w, su_w, sd_w, shared_gate.reshape(1, 1))
    x_sorted = _sc_gather_rows(flat, row_src, _P)
    y_sorted = _ffn_call(te, ta, x_sorted, eg_w, eu_w, ed_w)
    y_pair = _sc_gather_rows(y_sorted, inv, _K * _T).reshape(_K, _T, _H)

    final = _combine_call(shared, y_pair, topw)
    return final.reshape(B, S, H), aux[0, 0]

# --- scband reference (transcript-rebuilt; emitter-appended) ---
"""Pipeline reference for scband-mo-elayer-33586644254992 (READ-ONLY COPY).

The authoritative reference and input builder live on the scoring server;
editing this copy changes nothing except your own understanding.
"""

import jax, jax.numpy as jnp
import numpy as np

EPS = 1e-05

def safe_clamp(x, max_val):
    x = jnp.where(jnp.isnan(x), jnp.zeros_like(x), x)
    x = jnp.where(jnp.isinf(x), jnp.full_like(x, max_val) * jnp.sign(x), x)
    return jnp.clip(x, -max_val, max_val)

def layer_norm(x, eps=1e-05):
    mu = jnp.mean(x, axis=-1, keepdims=True)
    var = jnp.mean((x - mu) ** 2, axis=-1, keepdims=True)
    return (x - mu) / jnp.sqrt(var + eps)

def silu(x):
    return x * jax.nn.sigmoid(x)

def ffn(x, wg, wu, wd):
    x = safe_clamp(x, 1000.0)
    g = safe_clamp(silu(x @ wg.T), 1000.0)
    u = safe_clamp(x @ wu.T, 1000.0)
    return safe_clamp((g * u) @ wd.T, 1000.0)

def setup_inputs(seed: int = 0):
    key = jax.random.key(seed)
    ks = jax.random.split(key, 9)
    B, S, H, I, E = 1, 2048, 1024, 1024, 64
    def xav(k, shape, gain):
        fan_out, fan_in = shape[-2], shape[-1]
        a = gain * np.sqrt(6.0 / (fan_in + fan_out))
        return jax.random.uniform(k, shape, jnp.float32, -a, a)
    return {
        'hidden_states': jax.random.normal(ks[0], (B, S, H), jnp.float32),
        'router_w': xav(ks[1], (E, H), 0.1),
        'eg_w': xav(ks[2], (E, I, H), 0.5),
        'eu_w': xav(ks[3], (E, I, H), 0.5),
        'ed_w': xav(ks[4], (E, H, I), 0.1),
        'sg_w': xav(ks[5], (I, H), 0.5),
        'su_w': xav(ks[6], (I, H), 0.5),
        'sd_w': xav(ks[7], (H, I), 0.1),
        'shared_gate': jnp.ones((1,), jnp.float32) * 0.5,
    }

def reference(hidden_states, router_w, eg_w, eu_w, ed_w, sg_w, su_w, sd_w, shared_gate):
    B, S, H = hidden_states.shape
    E = router_w.shape[0]
    K = 2
    hs = safe_clamp(hidden_states, 1000.0)
    flat = hs.reshape(-1, H)
    T = flat.shape[0]
    # router
    hn = safe_clamp(layer_norm(flat), 100.0)
    logits = jnp.clip(hn @ router_w.T, -20.0, 20.0)
    probs = jnp.clip(jax.nn.softmax(logits.astype(jnp.float32), axis=-1), EPS, 1.0)
    topv, topi = jax.lax.top_k(probs, K)
    topv = topv / jnp.clip(jnp.sum(topv, axis=-1, keepdims=True), EPS, None)
    # experts: dense masked computation (mathematically equal to torch's gather loop)
    final = jnp.zeros_like(flat)
    for e in range(E):
        out_e = safe_clamp(ffn(flat, eg_w[e], eu_w[e], ed_w[e]), 1000.0)
        w_e = jnp.sum(topv * (topi == e).astype(topv.dtype), axis=-1)
        final = final + w_e[:, None] * out_e
    shared = safe_clamp(ffn(flat, sg_w, su_w, sd_w) * jax.nn.sigmoid(shared_gate), 1000.0)
    final = safe_clamp(final + shared, 1000.0).reshape(B, S, H)
    # aux loss
    rp = jnp.clip(jax.nn.softmax(jnp.clip(logits, -20.0, 20.0).astype(jnp.float32), axis=-1), EPS, 1.0)
    expert_mask = jax.nn.one_hot(topi, E, dtype=jnp.float32)
    tokens_per_expert = jnp.sum(expert_mask, axis=(0, 1)) / max(T * K, 1)
    avg_probs = jnp.mean(rp, axis=0)
    load_balance_loss = E * jnp.sum(tokens_per_expert * avg_probs)
    z_loss = jnp.mean(jax.scipy.special.logsumexp(logits, axis=-1) ** 2)
    aux_loss = load_balance_loss + 1e-3 * z_loss
    return final, aux_loss

if __name__ == "__main__":
    import jax
    _d = setup_inputs()
    print(jax.jit(kernel)(*tuple(_d.values())))

</pallas_src>

<mosaic_0001>
#map = affine_map<(d0, d1) -> (0, 0)>
#map1 = affine_map<(d0, d1) -> (0)>
module attributes {stable_mosaic.version = 14 : i64} {
  func.func @gather_k(%arg0: i32, %arg1: i32, %arg2: memref<2048x1024xf32, #tpu.memory_space<hbm>>, %arg3: memref<12288xi32, #tpu.memory_space<hbm>>, %arg4: memref<12288x1024xf32, #tpu.memory_space<hbm>>, %arg5: memref<64xi32, #tpu.memory_space<vmem>>, %arg6: memref<64x1024xf32, #tpu.memory_space<vmem>>, %arg7: memref<!tpu.dma_semaphore, #tpu.memory_space<semaphore_mem>>) attributes {dimension_semantics = [#tpu.dimension_semantics<core_parallel>, #tpu.dimension_semantics<subcore_parallel>], iteration_bounds = array<i64: 2, 16>, scalar_prefetch = 0 : i64, scratch_operands = 3 : i64, tpu.core_type = #tpu.core_type<sc_vector_subcore>, window_params = [{transform_indices = #map}, {transform_indices = #map1}, {transform_indices = #map}]} {
    %mul3A = arith.constant 2 : i32
    %mul3A_0 = arith.muli %arg1, %mul3A : i32
    %add3A = arith.addi %mul3A_0, %arg0 : i32
    %mul3A_1 = arith.constant 384 : i32
    %mul3A_2 = arith.muli %add3A, %mul3A_1 : i32
    %add3A_3 = arith.constant 0 : i32
    %add3A_4 = arith.addi %mul3A_2, %add3A_3 : i32
    "tpu.region"() ({
      %run_scoped3A = tpu.sem_alloc : memref<!tpu.dma_semaphore, #tpu.memory_space<semaphore_mem>>
      %dma_start3A_49 = tpu.memref_slice %arg3[%add3A_4] : memref<12288xi32, #tpu.memory_space<hbm>> -> memref<64xi32, #tpu.memory_space<hbm>>
      %dma_start3A_50 = tpu.memref_slice %arg3[%add3A_4] : memref<12288xi32, #tpu.memory_space<hbm>> -> memref<64xi32, #tpu.memory_space<hbm>>
      tpu.enqueue_dma source(%dma_start3A_50 : memref<64xi32, #tpu.memory_space<hbm>>) target(%arg5 : memref<64xi32, #tpu.memory_space<vmem>>) target_semaphore(%run_scoped3A : memref<!tpu.dma_semaphore, #tpu.memory_space<semaphore_mem>>)
      %dma_wait3A_51 = tpu.memref_slice %arg3[%add3A_4] : memref<12288xi32, #tpu.memory_space<hbm>> -> memref<64xi32, #tpu.memory_space<hbm>>
      %dma_wait3A_52 = tpu.memref_slice %arg3[%add3A_4] : memref<12288xi32, #tpu.memory_space<hbm>> -> memref<64xi32, #tpu.memory_space<hbm>>
      tpu.wait_dma2 semaphore(%run_scoped3A : memref<!tpu.dma_semaphore, #tpu.memory_space<semaphore_mem>>) src(%dma_wait3A_52 : memref<64xi32, #tpu.memory_space<hbm>>) dst(%arg5 : memref<64xi32, #tpu.memory_space<vmem>>)
      tpu.yield
    }) : () -> ()
    %dma_start3A = arith.constant 0 : i32
    %dma_start3A_5 = arith.constant 0 : i32
    %dma_start3A_6 = tpu.memref_slice %arg2[%dma_start3A, %dma_start3A_5] : memref<2048x1024xf32, #tpu.memory_space<hbm>> -> memref<2048x1024xf32, #tpu.memory_space<hbm>>
    tpu.enqueue_indirect_dma source(%dma_start3A_6 : memref<2048x1024xf32, #tpu.memory_space<hbm>>) target(%arg6 : memref<64x1024xf32, #tpu.memory_space<vmem>>) offsets(%arg5 : memref<64xi32, #tpu.memory_space<vmem>>) semaphore(%arg7 : memref<!tpu.dma_semaphore, #tpu.memory_space<semaphore_mem>>)
    %dma_wait3A = arith.constant 0 : i32
    %dma_wait3A_7 = arith.constant 0 : i32
    %dma_wait3A_8 = tpu.memref_slice %arg2[%dma_wait3A, %dma_wait3A_7] : memref<2048x1024xf32, #tpu.memory_space<hbm>> -> memref<2048x1024xf32, #tpu.memory_space<hbm>>
    tpu.wait_indirect_dma semaphore(%arg7 : memref<!tpu.dma_semaphore, #tpu.memory_space<semaphore_mem>>) src(%dma_wait3A_8 : memref<2048x1024xf32, #tpu.memory_space<hbm>>) dst(%arg6 : memref<64x1024xf32, #tpu.memory_space<vmem>>)
    "tpu.region"() ({
      %run_scoped3A = tpu.sem_alloc : memref<!tpu.dma_semaphore, #tpu.memory_space<semaphore_mem>>
      %dma_start3A_49 = arith.constant 0 : i32
      %dma_start3A_50 = tpu.memref_slice %arg4[%add3A_4, %dma_start3A_49] : memref<12288x1024xf32, #tpu.memory_space<hbm>> -> memref<64x1024xf32, #tpu.memory_space<hbm>>
      %dma_start3A_51 = arith.constant 0 : i32
      %dma_start3A_52 = tpu.memref_slice %arg4[%add3A_4, %dma_start3A_51] : memref<12288x1024xf32, #tpu.memory_space<hbm>> -> memref<64x1024xf32, #tpu.memory_space<hbm>>
      tpu.enqueue_dma source(%arg6 : memref<64x1024xf32, #tpu.memory_space<vmem>>) target(%dma_start3A_52 : memref<64x1024xf32, #tpu.memory_space<hbm>>) target_semaphore(%run_scoped3A : memref<!tpu.dma_semaphore, #tpu.memory_space<semaphore_mem>>)
      %dma_wait3A_53 = arith.constant 0 : i32
      %dma_wait3A_54 = tpu.memref_slice %arg4[%add3A_4, %dma_wait3A_53] : memref<12288x1024xf32, #tpu.memory_space<hbm>> -> memref<64x1024xf32, #tpu.memory_space<hbm>>
      %dma_wait3A_55 = arith.constant 0 : i32
      %dma_wait3A_56 = tpu.memref_slice %arg4[%add3A_4, %dma_wait3A_55] : memref<12288x1024xf32, #tpu.memory_space<hbm>> -> memref<64x1024xf32, #tpu.memory_space<hbm>>
      tpu.wait_dma2 semaphore(%run_scoped3A : memref<!tpu.dma_semaphore, #tpu.memory_space<semaphore_mem>>) src(%arg6 : memref<64x1024xf32, #tpu.memory_space<vmem>>) dst(%dma_wait3A_56 : memref<64x1024xf32, #tpu.memory_space<hbm>>)
      tpu.yield
    }) : () -> ()
    %add3A_9 = arith.constant 64 : i32
    %add3A_10 = arith.addi %mul3A_2, %add3A_9 : i32
    "tpu.region"() ({
      %run_scoped3A = tpu.sem_alloc : memref<!tpu.dma_semaphore, #tpu.memory_space<semaphore_mem>>
      %dma_start3A_49 = tpu.memref_slice %arg3[%add3A_10] : memref<12288xi32, #tpu.memory_space<hbm>> -> memref<64xi32, #tpu.memory_space<hbm>>
      %dma_start3A_50 = tpu.memref_slice %arg3[%add3A_10] : memref<12288xi32, #tpu.memory_space<hbm>> -> memref<64xi32, #tpu.memory_space<hbm>>
      tpu.enqueue_dma source(%dma_start3A_50 : memref<64xi32, #tpu.memory_space<hbm>>) target(%arg5 : memref<64xi32, #tpu.memory_space<vmem>>) target_semaphore(%run_scoped3A : memref<!tpu.dma_semaphore, #tpu.memory_space<semaphore_mem>>)
      %dma_wait3A_51 = tpu.memref_slice %arg3[%add3A_10] : memref<12288xi32, #tpu.memory_space<hbm>> -> memref<64xi32, #tpu.memory_space<hbm>>
      %dma_wait3A_52 = tpu.memref_slice %arg3[%add3A_10] : memref<12288xi32, #tpu.memory_space<hbm>> -> memref<64xi32, #tpu.memory_space<hbm>>
      tpu.wait_dma2 semaphore(%run_scoped3A : memref<!tpu.dma_semaphore, #tpu.memory_space<semaphore_mem>>) src(%dma_wait3A_52 : memref<64xi32, #tpu.memory_space<hbm>>) dst(%arg5 : memref<64xi32, #tpu.memory_space<vmem>>)
      tpu.yield
    }) : () -> ()
    %dma_start3A_11 = arith.constant 0 : i32
    %dma_start3A_12 = arith.constant 0 : i32
    %dma_start3A_13 = tpu.memref_slice %arg2[%dma_start3A_11, %dma_start3A_12] : memref<2048x1024xf32, #tpu.memory_space<hbm>> -> memref<2048x1024xf32, #tpu.memory_space<hbm>>
    tpu.enqueue_indirect_dma source(%dma_start3A_13 : memref<2048x1024xf32, #tpu.memory_space<hbm>>) target(%arg6 : memref<64x1024xf32, #tpu.memory_space<vmem>>) offsets(%arg5 : memref<64xi32, #tpu.memory_space<vmem>>) semaphore(%arg7 : memref<!tpu.dma_semaphore, #tpu.memory_space<semaphore_mem>>)
    %dma_wait3A_14 = arith.constant 0 : i32
    %dma_wait3A_15 = arith.constant 0 : i32
    %dma_wait3A_16 = tpu.memref_slice %arg2[%dma_wait3A_14, %dma_wait3A_15] : memref<2048x1024xf32, #tpu.memory_space<hbm>> -> memref<2048x1024xf32, #tpu.memory_space<hbm>>
    tpu.wait_indirect_dma semaphore(%arg7 : memref<!tpu.dma_semaphore, #tpu.memory_space<semaphore_mem>>) src(%dma_wait3A_16 : memref<2048x1024xf32, #tpu.memory_space<hbm>>) dst(%arg6 : memref<64x1024xf32, #tpu.memory_space<vmem>>)
    "tpu.region"() ({
      %run_scoped3A = tpu.sem_alloc : memref<!tpu.dma_semaphore, #tpu.memory_space<semaphore_mem>>
      %dma_start3A_49 = arith.constant 0 : i32
      %dma_start3A_50 = tpu.memref_slice %arg4[%add3A_10, %dma_start3A_49] : memref<12288x1024xf32, #tpu.memory_space<hbm>> -> memref<64x1024xf32, #tpu.memory_space<hbm>>
      %dma_start3A_51 = arith.constant 0 : i32
      %dma_start3A_52 = tpu.memref_slice %arg4[%add3A_10, %dma_start3A_51] : memref<12288x1024xf32, #tpu.memory_space<hbm>> -> memref<64x1024xf32, #tpu.memory_space<hbm>>
      tpu.enqueue_dma source(%arg6 : memref<64x1024xf32, #tpu.memory_space<vmem>>) target(%dma_start3A_52 : memref<64x1024xf32, #tpu.memory_space<hbm>>) target_semaphore(%run_scoped3A : memref<!tpu.dma_semaphore, #tpu.memory_space<semaphore_mem>>)
      %dma_wait3A_53 = arith.constant 0 : i32
      %dma_wait3A_54 = tpu.memref_slice %arg4[%add3A_10, %dma_wait3A_53] : memref<12288x1024xf32, #tpu.memory_space<hbm>> -> memref<64x1024xf32, #tpu.memory_space<hbm>>
      %dma_wait3A_55 = arith.constant 0 : i32
      %dma_wait3A_56 = tpu.memref_slice %arg4[%add3A_10, %dma_wait3A_55] : memref<12288x1024xf32, #tpu.memory_space<hbm>> -> memref<64x1024xf32, #tpu.memory_space<hbm>>
      tpu.wait_dma2 semaphore(%run_scoped3A : memref<!tpu.dma_semaphore, #tpu.memory_space<semaphore_mem>>) src(%arg6 : memref<64x1024xf32, #tpu.memory_space<vmem>>) dst(%dma_wait3A_56 : memref<64x1024xf32, #tpu.memory_space<hbm>>)
      tpu.yield
    }) : () -> ()
    %add3A_17 = arith.constant 128 : i32
    %add3A_18 = arith.addi %mul3A_2, %add3A_17 : i32
    "tpu.region"() ({
      %run_scoped3A = tpu.sem_alloc : memref<!tpu.dma_semaphore, #tpu.memory_space<semaphore_mem>>
      %dma_start3A_49 = tpu.memref_slice %arg3[%add3A_18] : memref<12288xi32, #tpu.memory_space<hbm>> -> memref<64xi32, #tpu.memory_space<hbm>>
      %dma_start3A_50 = tpu.memref_slice %arg3[%add3A_18] : memref<12288xi32, #tpu.memory_space<hbm>> -> memref<64xi32, #tpu.memory_space<hbm>>
      tpu.enqueue_dma source(%dma_start3A_50 : memref<64xi32, #tpu.memory_space<hbm>>) target(%arg5 : memref<64xi32, #tpu.memory_space<vmem>>) target_semaphore(%run_scoped3A : memref<!tpu.dma_semaphore, #tpu.memory_space<semaphore_mem>>)
      %dma_wait3A_51 = tpu.memref_slice %arg3[%add3A_18] : memref<12288xi32, #tpu.memory_space<hbm>> -> memref<64xi32, #tpu.memory_space<hbm>>
      %dma_wait3A_52 = tpu.memref_slice %arg3[%add3A_18] : memref<12288xi32, #tpu.memory_space<hbm>> -> memref<64xi32, #tpu.memory_space<hbm>>
      tpu.wait_dma2 semaphore(%run_scoped3A : memref<!tpu.dma_semaphore, #tpu.memory_space<semaphore_mem>>) src(%dma_wait3A_52 : memref<64xi32, #tpu.memory_space<hbm>>) dst(%arg5 : memref<64xi32, #tpu.memory_space<vmem>>)
      tpu.yield
    }) : () -> ()
    %dma_start3A_19 = arith.constant 0 : i32
    %dma_start3A_20 = arith.constant 0 : i32
    %dma_start3A_21 = tpu.memref_slice %arg2[%dma_start3A_19, %dma_start3A_20] : memref<2048x1024xf32, #tpu.memory_space<hbm>> -> memref<2048x1024xf32, #tpu.memory_space<hbm>>
    tpu.enqueue_indirect_dma source(%dma_start3A_21 : memref<2048x1024xf32, #tpu.memory_space<hbm>>) target(%arg6 : memref<64x1024xf32, #tpu.memory_space<vmem>>) offsets(%arg5 : memref<64xi32, #tpu.memory_space<vmem>>) semaphore(%arg7 : memref<!tpu.dma_semaphore, #tpu.memory_space<semaphore_mem>>)
    %dma_wait3A_22 = arith.constant 0 : i32
    %dma_wait3A_23 = arith.constant 0 : i32
    %dma_wait3A_24 = tpu.memref_slice %arg2[%dma_wait3A_22, %dma_wait3A_23] : memref<2048x1024xf32, #tpu.memory_space<hbm>> -> memref<2048x1024xf32, #tpu.memory_space<hbm>>
    tpu.wait_indirect_dma semaphore(%arg7 : memref<!tpu.dma_semaphore, #tpu.memory_space<semaphore_mem>>) src(%dma_wait3A_24 : memref<2048x1024xf32, #tpu.memory_space<hbm>>) dst(%arg6 : memref<64x1024xf32, #tpu.memory_space<vmem>>)
    "tpu.region"() ({
      %run_scoped3A = tpu.sem_alloc : memref<!tpu.dma_semaphore, #tpu.memory_space<semaphore_mem>>
      %dma_start3A_49 = arith.constant 0 : i32
      %dma_start3A_50 = tpu.memref_slice %arg4[%add3A_18, %dma_start3A_49] : memref<12288x1024xf32, #tpu.memory_space<hbm>> -> memref<64x1024xf32, #tpu.memory_space<hbm>>
      %dma_start3A_51 = arith.constant 0 : i32
      %dma_start3A_52 = tpu.memref_slice %arg4[%add3A_18, %dma_start3A_51] : memref<12288x1024xf32, #tpu.memory_space<hbm>> -> memref<64x1024xf32, #tpu.memory_space<hbm>>
      tpu.enqueue_dma source(%arg6 : memref<64x1024xf32, #tpu.memory_space<vmem>>) target(%dma_start3A_52 : memref<64x1024xf32, #tpu.memory_space<hbm>>) target_semaphore(%run_scoped3A : memref<!tpu.dma_semaphore, #tpu.memory_space<semaphore_mem>>)
      %dma_wait3A_53 = arith.constant 0 : i32
      %dma_wait3A_54 = tpu.memref_slice %arg4[%add3A_18, %dma_wait3A_53] : memref<12288x1024xf32, #tpu.memory_space<hbm>> -> memref<64x1024xf32, #tpu.memory_space<hbm>>
      %dma_wait3A_55 = arith.constant 0 : i32
      %dma_wait3A_56 = tpu.memref_slice %arg4[%add3A_18, %dma_wait3A_55] : memref<12288x1024xf32, #tpu.memory_space<hbm>> -> memref<64x1024xf32, #tpu.memory_space<hbm>>
      tpu.wait_dma2 semaphore(%run_scoped3A : memref<!tpu.dma_semaphore, #tpu.memory_space<semaphore_mem>>) src(%arg6 : memref<64x1024xf32, #tpu.memory_space<vmem>>) dst(%dma_wait3A_56 : memref<64x1024xf32, #tpu.memory_space<hbm>>)
      tpu.yield
    }) : () -> ()
    %add3A_25 = arith.constant 192 : i32
    %add3A_26 = arith.addi %mul3A_2, %add3A_25 : i32
    "tpu.region"() ({
      %run_scoped3A = tpu.sem_alloc : memref<!tpu.dma_semaphore, #tpu.memory_space<semaphore_mem>>
      %dma_start3A_49 = tpu.memref_slice %arg3[%add3A_26] : memref<12288xi32, #tpu.memory_space<hbm>> -> memref<64xi32, #tpu.memory_space<hbm>>
      %dma_start3A_50 = tpu.memref_slice %arg3[%add3A_26] : memref<12288xi32, #tpu.memory_space<hbm>> -> memref<64xi32, #tpu.memory_space<hbm>>
      tpu.enqueue_dma source(%dma_start3A_50 : memref<64xi32, #tpu.memory_space<hbm>>) target(%arg5 : memref<64xi32, #tpu.memory_space<vmem>>) target_semaphore(%run_scoped3A : memref<!tpu.dma_semaphore, #tpu.memory_space<semaphore_mem>>)
      %dma_wait3A_51 = tpu.memref_slice %arg3[%add3A_26] : memref<12288xi32, #tpu.memory_space<hbm>> -> memref<64xi32, #tpu.memory_space<hbm>>
      %dma_wait3A_52 = tpu.memref_slice %arg3[%add3A_26] : memref<12288xi32, #tpu.memory_space<hbm>> -> memref<64xi32, #tpu.memory_space<hbm>>
      tpu.wait_dma2 semaphore(%run_scoped3A : memref<!tpu.dma_semaphore, #tpu.memory_space<semaphore_mem>>) src(%dma_wait3A_52 : memref<64xi32, #tpu.memory_space<hbm>>) dst(%arg5 : memref<64xi32, #tpu.memory_space<vmem>>)
      tpu.yield
    }) : () -> ()
    %dma_start3A_27 = arith.constant 0 : i32
    %dma_start3A_28 = arith.constant 0 : i32
    %dma_start3A_29 = tpu.memref_slice %arg2[%dma_start3A_27, %dma_start3A_28] : memref<2048x1024xf32, #tpu.memory_space<hbm>> -> memref<2048x1024xf32, #tpu.memory_space<hbm>>
    tpu.enqueue_indirect_dma source(%dma_start3A_29 : memref<2048x1024xf32, #tpu.memory_space<hbm>>) target(%arg6 : memref<64x1024xf32, #tpu.memory_space<vmem>>) offsets(%arg5 : memref<64xi32, #tpu.memory_space<vmem>>) semaphore(%arg7 : memref<!tpu.dma_semaphore, #tpu.memory_space<semaphore_mem>>)
    %dma_wait3A_30 = arith.constant 0 : i32
    %dma_wait3A_31 = arith.constant 0 : i32
    %dma_wait3A_32 = tpu.memref_slice %arg2[%dma_wait3A_30, %dma_wait3A_31] : memref<2048x1024xf32, #tpu.memory_space<hbm>> -> memref<2048x1024xf32, #tpu.memory_space<hbm>>
    tpu.wait_indirect_dma semaphore(%arg7 : memref<!tpu.dma_semaphore, #tpu.memory_space<semaphore_mem>>) src(%dma_wait3A_32 : memref<2048x1024xf32, #tpu.memory_space<hbm>>) dst(%arg6 : memref<64x1024xf32, #tpu.memory_space<vmem>>)
    "tpu.region"() ({
      %run_scoped3A = tpu.sem_alloc : memref<!tpu.dma_semaphore, #tpu.memory_space<semaphore_mem>>
      %dma_start3A_49 = arith.constant 0 : i32
      %dma_start3A_50 = tpu.memref_slice %arg4[%add3A_26, %dma_start3A_49] : memref<12288x1024xf32, #tpu.memory_space<hbm>> -> memref<64x1024xf32, #tpu.memory_space<hbm>>
      %dma_start3A_51 = arith.constant 0 : i32
      %dma_start3A_52 = tpu.memref_slice %arg4[%add3A_26, %dma_start3A_51] : memref<12288x1024xf32, #tpu.memory_space<hbm>> -> memref<64x1024xf32, #tpu.memory_space<hbm>>
      tpu.enqueue_dma source(%arg6 : memref<64x1024xf32, #tpu.memory_space<vmem>>) target(%dma_start3A_52 : memref<64x1024xf32, #tpu.memory_space<hbm>>) target_semaphore(%run_scoped3A : memref<!tpu.dma_semaphore, #tpu.memory_space<semaphore_mem>>)
      %dma_wait3A_53 = arith.constant 0 : i32
      %dma_wait3A_54 = tpu.memref_slice %arg4[%add3A_26, %dma_wait3A_53] : memref<12288x1024xf32, #tpu.memory_space<hbm>> -> memref<64x1024xf32, #tpu.memory_space<hbm>>
      %dma_wait3A_55 = arith.constant 0 : i32
      %dma_wait3A_56 = tpu.memref_slice %arg4[%add3A_26, %dma_wait3A_55] : memref<12288x1024xf32, #tpu.memory_space<hbm>> -> memref<64x1024xf32, #tpu.memory_space<hbm>>
      tpu.wait_dma2 semaphore(%run_scoped3A : memref<!tpu.dma_semaphore, #tpu.memory_space<semaphore_mem>>) src(%arg6 : memref<64x1024xf32, #tpu.memory_space<vmem>>) dst(%dma_wait3A_56 : memref<64x1024xf32, #tpu.memory_space<hbm>>)
      tpu.yield
    }) : () -> ()
    %add3A_33 = arith.constant 256 : i32
    %add3A_34 = arith.addi %mul3A_2, %add3A_33 : i32
    "tpu.region"() ({
      %run_scoped3A = tpu.sem_alloc : memref<!tpu.dma_semaphore, #tpu.memory_space<semaphore_mem>>
      %dma_start3A_49 = tpu.memref_slice %arg3[%add3A_34] : memref<12288xi32, #tpu.memory_space<hbm>> -> memref<64xi32, #tpu.memory_space<hbm>>
      %dma_start3A_50 = tpu.memref_slice %arg3[%add3A_34] : memref<12288xi32, #tpu.memory_space<hbm>> -> memref<64xi32, #tpu.memory_space<hbm>>
      tpu.enqueue_dma source(%dma_start3A_50 : memref<64xi32, #tpu.memory_space<hbm>>) target(%arg5 : memref<64xi32, #tpu.memory_space<vmem>>) target_semaphore(%run_scoped3A : memref<!tpu.dma_semaphore, #tpu.memory_space<semaphore_mem>>)
      %dma_wait3A_51 = tpu.memref_slice %arg3[%add3A_34] : memref<12288xi32, #tpu.memory_space<hbm>> -> memref<64xi32, #tpu.memory_space<hbm>>
      %dma_wait3A_52 = tpu.memref_slice %arg3[%add3A_34] : memref<12288xi32, #tpu.memory_space<hbm>> -> memref<64xi32, #tpu.memory_space<hbm>>
      tpu.wait_dma2 semaphore(%run_scoped3A : memref<!tpu.dma_semaphore, #tpu.memory_space<semaphore_mem>>) src(%dma_wait3A_52 : memref<64xi32, #tpu.memory_space<hbm>>) dst(%arg5 : memref<64xi32, #tpu.memory_space<vmem>>)
      tpu.yield
    }) : () -> ()
    %dma_start3A_35 = arith.constant 0 : i32
    %dma_start3A_36 = arith.constant 0 : i32
    %dma_start3A_37 = tpu.memref_slice %arg2[%dma_start3A_35, %dma_start3A_36] : memref<2048x1024xf32, #tpu.memory_space<hbm>> -> memref<2048x1024xf32, #tpu.memory_space<hbm>>
    tpu.enqueue_indirect_dma source(%dma_start3A_37 : memref<2048x1024xf32, #tpu.memory_space<hbm>>) target(%arg6 : memref<64x1024xf32, #tpu.memory_space<vmem>>) offsets(%arg5 : memref<64xi32, #tpu.memory_space<vmem>>) semaphore(%arg7 : memref<!tpu.dma_semaphore, #tpu.memory_space<semaphore_mem>>)
    %dma_wait3A_38 = arith.constant 0 : i32
    %dma_wait3A_39 = arith.constant 0 : i32
    %dma_wait3A_40 = tpu.memref_slice %arg2[%dma_wait3A_38, %dma_wait3A_39] : memref<2048x1024xf32, #tpu.memory_space<hbm>> -> memref<2048x1024xf32, #tpu.memory_space<hbm>>
    tpu.wait_indirect_dma semaphore(%arg7 : memref<!tpu.dma_semaphore, #tpu.memory_space<semaphore_mem>>) src(%dma_wait3A_40 : memref<2048x1024xf32, #tpu.memory_space<hbm>>) dst(%arg6 : memref<64x1024xf32, #tpu.memory_space<vmem>>)
    "tpu.region"() ({
      %run_scoped3A = tpu.sem_alloc : memref<!tpu.dma_semaphore, #tpu.memory_space<semaphore_mem>>
      %dma_start3A_49 = arith.constant 0 : i32
      %dma_start3A_50 = tpu.memref_slice %arg4[%add3A_34, %dma_start3A_49] : memref<12288x1024xf32, #tpu.memory_space<hbm>> -> memref<64x1024xf32, #tpu.memory_space<hbm>>
      %dma_start3A_51 = arith.constant 0 : i32
      %dma_start3A_52 = tpu.memref_slice %arg4[%add3A_34, %dma_start3A_51] : memref<12288x1024xf32, #tpu.memory_space<hbm>> -> memref<64x1024xf32, #tpu.memory_space<hbm>>
      tpu.enqueue_dma source(%arg6 : memref<64x1024xf32, #tpu.memory_space<vmem>>) target(%dma_start3A_52 : memref<64x1024xf32, #tpu.memory_space<hbm>>) target_semaphore(%run_scoped3A : memref<!tpu.dma_semaphore, #tpu.memory_space<semaphore_mem>>)
      %dma_wait3A_53 = arith.constant 0 : i32
      %dma_wait3A_54 = tpu.memref_slice %arg4[%add3A_34, %dma_wait3A_53] : memref<12288x1024xf32, #tpu.memory_space<hbm>> -> memref<64x1024xf32, #tpu.memory_space<hbm>>
      %dma_wait3A_55 = arith.constant 0 : i32
      %dma_wait3A_56 = tpu.memref_slice %arg4[%add3A_34, %dma_wait3A_55] : memref<12288x1024xf32, #tpu.memory_space<hbm>> -> memref<64x1024xf32, #tpu.memory_space<hbm>>
      tpu.wait_dma2 semaphore(%run_scoped3A : memref<!tpu.dma_semaphore, #tpu.memory_space<semaphore_mem>>) src(%arg6 : memref<64x1024xf32, #tpu.memory_space<vmem>>) dst(%dma_wait3A_56 : memref<64x1024xf32, #tpu.memory_space<hbm>>)
      tpu.yield
    }) : () -> ()
    %add3A_41 = arith.constant 320 : i32
    %add3A_42 = arith.addi %mul3A_2, %add3A_41 : i32
    "tpu.region"() ({
      %run_scoped3A = tpu.sem_alloc : memref<!tpu.dma_semaphore, #tpu.memory_space<semaphore_mem>>
      %dma_start3A_49 = tpu.memref_slice %arg3[%add3A_42] : memref<12288xi32, #tpu.memory_space<hbm>> -> memref<64xi32, #tpu.memory_space<hbm>>
      %dma_start3A_50 = tpu.memref_slice %arg3[%add3A_42] : memref<12288xi32, #tpu.memory_space<hbm>> -> memref<64xi32, #tpu.memory_space<hbm>>
      tpu.enqueue_dma source(%dma_start3A_50 : memref<64xi32, #tpu.memory_space<hbm>>) target(%arg5 : memref<64xi32, #tpu.memory_space<vmem>>) target_semaphore(%run_scoped3A : memref<!tpu.dma_semaphore, #tpu.memory_space<semaphore_mem>>)
      %dma_wait3A_51 = tpu.memref_slice %arg3[%add3A_42] : memref<12288xi32, #tpu.memory_space<hbm>> -> memref<64xi32, #tpu.memory_space<hbm>>
      %dma_wait3A_52 = tpu.memref_slice %arg3[%add3A_42] : memref<12288xi32, #tpu.memory_space<hbm>> -> memref<64xi32, #tpu.memory_space<hbm>>
      tpu.wait_dma2 semaphore(%run_scoped3A : memref<!tpu.dma_semaphore, #tpu.memory_space<semaphore_mem>>) src(%dma_wait3A_52 : memref<64xi32, #tpu.memory_space<hbm>>) dst(%arg5 : memref<64xi32, #tpu.memory_space<vmem>>)
      tpu.yield
    }) : () -> ()
    %dma_start3A_43 = arith.constant 0 : i32
    %dma_start3A_44 = arith.constant 0 : i32
    %dma_start3A_45 = tpu.memref_slice %arg2[%dma_start3A_43, %dma_start3A_44] : memref<2048x1024xf32, #tpu.memory_space<hbm>> -> memref<2048x1024xf32, #tpu.memory_space<hbm>>
    tpu.enqueue_indirect_dma source(%dma_start3A_45 : memref<2048x1024xf32, #tpu.memory_space<hbm>>) target(%arg6 : memref<64x1024xf32, #tpu.memory_space<vmem>>) offsets(%arg5 : memref<64xi32, #tpu.memory_space<vmem>>) semaphore(%arg7 : memref<!tpu.dma_semaphore, #tpu.memory_space<semaphore_mem>>)
    %dma_wait3A_46 = arith.constant 0 : i32
    %dma_wait3A_47 = arith.constant 0 : i32
    %dma_wait3A_48 = tpu.memref_slice %arg2[%dma_wait3A_46, %dma_wait3A_47] : memref<2048x1024xf32, #tpu.memory_space<hbm>> -> memref<2048x1024xf32, #tpu.memory_space<hbm>>
    tpu.wait_indirect_dma semaphore(%arg7 : memref<!tpu.dma_semaphore, #tpu.memory_space<semaphore_mem>>) src(%dma_wait3A_48 : memref<2048x1024xf32, #tpu.memory_space<hbm>>) dst(%arg6 : memref<64x1024xf32, #tpu.memory_space<vmem>>)
    "tpu.region"() ({
      %run_scoped3A = tpu.sem_alloc : memref<!tpu.dma_semaphore, #tpu.memory_space<semaphore_mem>>
      %dma_start3A_49 = arith.constant 0 : i32
      %dma_start3A_50 = tpu.memref_slice %arg4[%add3A_42, %dma_start3A_49] : memref<12288x1024xf32, #tpu.memory_space<hbm>> -> memref<64x1024xf32, #tpu.memory_space<hbm>>
      %dma_start3A_51 = arith.constant 0 : i32
      %dma_start3A_52 = tpu.memref_slice %arg4[%add3A_42, %dma_start3A_51] : memref<12288x1024xf32, #tpu.memory_space<hbm>> -> memref<64x1024xf32, #tpu.memory_space<hbm>>
      tpu.enqueue_dma source(%arg6 : memref<64x1024xf32, #tpu.memory_space<vmem>>) target(%dma_start3A_52 : memref<64x1024xf32, #tpu.memory_space<hbm>>) target_semaphore(%run_scoped3A : memref<!tpu.dma_semaphore, #tpu.memory_space<semaphore_mem>>)
      %dma_wait3A_53 = arith.constant 0 : i32
      %dma_wait3A_54 = tpu.memref_slice %arg4[%add3A_42, %dma_wait3A_53] : memref<12288x1024xf32, #tpu.memory_space<hbm>> -> memref<64x1024xf32, #tpu.memory_space<hbm>>
      %dma_wait3A_55 = arith.constant 0 : i32
      %dma_wait3A_56 = tpu.memref_slice %arg4[%add3A_42, %dma_wait3A_55] : memref<12288x1024xf32, #tpu.memory_space<hbm>> -> memref<64x1024xf32, #tpu.memory_space<hbm>>
      tpu.wait_dma2 semaphore(%run_scoped3A : memref<!tpu.dma_semaphore, #tpu.memory_space<semaphore_mem>>) src(%arg6 : memref<64x1024xf32, #tpu.memory_space<vmem>>) dst(%dma_wait3A_56 : memref<64x1024xf32, #tpu.memory_space<hbm>>)
      tpu.yield
    }) : () -> ()
    return
  }
}

#map = affine_map<(d0, d1) -> (0, 0)>
#map1 = affine_map<(d0, d1) -> (0)>
module attributes {stable_mosaic.version = 14 : i64} {
  func.func @gather_k(%arg0: i32, %arg1: i32, %arg2: memref<12288x1024xf32, #tpu.memory_space<hbm>>, %arg3: memref<4096xi32, #tpu.memory_space<hbm>>, %arg4: memref<4096x1024xf32, #tpu.memory_space<hbm>>, %arg5: memref<64xi32, #tpu.memory_space<vmem>>, %arg6: memref<64x1024xf32, #tpu.memory_space<vmem>>, %arg7: memref<!tpu.dma_semaphore, #tpu.memory_space<semaphore_mem>>) attributes {dimension_semantics = [#tpu.dimension_semantics<core_parallel>, #tpu.dimension_semantics<subcore_parallel>], iteration_bounds = array<i64: 2, 16>, scalar_prefetch = 0 : i64, scratch_operands = 3 : i64, tpu.core_type = #tpu.core_type<sc_vector_subcore>, window_params = [{transform_indices = #map}, {transform_indices = #map1}, {transform_indices = #map}]} {
    %mul3A = arith.constant 2 : i32
    %mul3A_0 = arith.muli %arg1, %mul3A : i32
    %add3A = arith.addi %mul3A_0, %arg0 : i32
    %mul3A_1 = arith.constant 128 : i32
    %mul3A_2 = arith.muli %add3A, %mul3A_1 : i32
    %add3A_3 = arith.constant 0 : i32
    %add3A_4 = arith.addi %mul3A_2, %add3A_3 : i32
    "tpu.region"() ({
      %run_scoped3A = tpu.sem_alloc : memref<!tpu.dma_semaphore, #tpu.memory_space<semaphore_mem>>
      %dma_start3A_17 = tpu.memref_slice %arg3[%add3A_4] : memref<4096xi32, #tpu.memory_space<hbm>> -> memref<64xi32, #tpu.memory_space<hbm>>
      %dma_start3A_18 = tpu.memref_slice %arg3[%add3A_4] : memref<4096xi32, #tpu.memory_space<hbm>> -> memref<64xi32, #tpu.memory_space<hbm>>
      tpu.enqueue_dma source(%dma_start3A_18 : memref<64xi32, #tpu.memory_space<hbm>>) target(%arg5 : memref<64xi32, #tpu.memory_space<vmem>>) target_semaphore(%run_scoped3A : memref<!tpu.dma_semaphore, #tpu.memory_space<semaphore_mem>>)
      %dma_wait3A_19 = tpu.memref_slice %arg3[%add3A_4] : memref<4096xi32, #tpu.memory_space<hbm>> -> memref<64xi32, #tpu.memory_space<hbm>>
      %dma_wait3A_20 = tpu.memref_slice %arg3[%add3A_4] : memref<4096xi32, #tpu.memory_space<hbm>> -> memref<64xi32, #tpu.memory_space<hbm>>
      tpu.wait_dma2 semaphore(%run_scoped3A : memref<!tpu.dma_semaphore, #tpu.memory_space<semaphore_mem>>) src(%dma_wait3A_20 : memref<64xi32, #tpu.memory_space<hbm>>) dst(%arg5 : memref<64xi32, #tpu.memory_space<vmem>>)
      tpu.yield
    }) : () -> ()
    %dma_start3A = arith.constant 0 : i32
    %dma_start3A_5 = arith.constant 0 : i32
    %dma_start3A_6 = tpu.memref_slice %arg2[%dma_start3A, %dma_start3A_5] : memref<12288x1024xf32, #tpu.memory_space<hbm>> -> memref<12288x1024xf32, #tpu.memory_space<hbm>>
    tpu.enqueue_indirect_dma source(%dma_start3A_6 : memref<12288x1024xf32, #tpu.memory_space<hbm>>) target(%arg6 : memref<64x1024xf32, #tpu.memory_space<vmem>>) offsets(%arg5 : memref<64xi32, #tpu.memory_space<vmem>>) semaphore(%arg7 : memref<!tpu.dma_semaphore, #tpu.memory_space<semaphore_mem>>)
    %dma_wait3A = arith.constant 0 : i32
    %dma_wait3A_7 = arith.constant 0 : i32
    %dma_wait3A_8 = tpu.memref_slice %arg2[%dma_wait3A, %dma_wait3A_7] : memref<12288x1024xf32, #tpu.memory_space<hbm>> -> memref<12288x1024xf32, #tpu.memory_space<hbm>>
    tpu.wait_indirect_dma semaphore(%arg7 : memref<!tpu.dma_semaphore, #tpu.memory_space<semaphore_mem>>) src(%dma_wait3A_8 : memref<12288x1024xf32, #tpu.memory_space<hbm>>) dst(%arg6 : memref<64x1024xf32, #tpu.memory_space<vmem>>)
    "tpu.region"() ({
      %run_scoped3A = tpu.sem_alloc : memref<!tpu.dma_semaphore, #tpu.memory_space<semaphore_mem>>
      %dma_start3A_17 = arith.constant 0 : i32
      %dma_start3A_18 = tpu.memref_slice %arg4[%add3A_4, %dma_start3A_17] : memref<4096x1024xf32, #tpu.memory_space<hbm>> -> memref<64x1024xf32, #tpu.memory_space<hbm>>
      %dma_start3A_19 = arith.constant 0 : i32
      %dma_start3A_20 = tpu.memref_slice %arg4[%add3A_4, %dma_start3A_19] : memref<4096x1024xf32, #tpu.memory_space<hbm>> -> memref<64x1024xf32, #tpu.memory_space<hbm>>
      tpu.enqueue_dma source(%arg6 : memref<64x1024xf32, #tpu.memory_space<vmem>>) target(%dma_start3A_20 : memref<64x1024xf32, #tpu.memory_space<hbm>>) target_semaphore(%run_scoped3A : memref<!tpu.dma_semaphore, #tpu.memory_space<semaphore_mem>>)
      %dma_wait3A_21 = arith.constant 0 : i32
      %dma_wait3A_22 = tpu.memref_slice %arg4[%add3A_4, %dma_wait3A_21] : memref<4096x1024xf32, #tpu.memory_space<hbm>> -> memref<64x1024xf32, #tpu.memory_space<hbm>>
      %dma_wait3A_23 = arith.constant 0 : i32
      %dma_wait3A_24 = tpu.memref_slice %arg4[%add3A_4, %dma_wait3A_23] : memref<4096x1024xf32, #tpu.memory_space<hbm>> -> memref<64x1024xf32, #tpu.memory_space<hbm>>
      tpu.wait_dma2 semaphore(%run_scoped3A : memref<!tpu.dma_semaphore, #tpu.memory_space<semaphore_mem>>) src(%arg6 : memref<64x1024xf32, #tpu.memory_space<vmem>>) dst(%dma_wait3A_24 : memref<64x1024xf32, #tpu.memory_space<hbm>>)
      tpu.yield
    }) : () -> ()
    %add3A_9 = arith.constant 64 : i32
    %add3A_10 = arith.addi %mul3A_2, %add3A_9 : i32
    "tpu.region"() ({
      %run_scoped3A = tpu.sem_alloc : memref<!tpu.dma_semaphore, #tpu.memory_space<semaphore_mem>>
      %dma_start3A_17 = tpu.memref_slice %arg3[%add3A_10] : memref<4096xi32, #tpu.memory_space<hbm>> -> memref<64xi32, #tpu.memory_space<hbm>>
      %dma_start3A_18 = tpu.memref_slice %arg3[%add3A_10] : memref<4096xi32, #tpu.memory_space<hbm>> -> memref<64xi32, #tpu.memory_space<hbm>>
      tpu.enqueue_dma source(%dma_start3A_18 : memref<64xi32, #tpu.memory_space<hbm>>) target(%arg5 : memref<64xi32, #tpu.memory_space<vmem>>) target_semaphore(%run_scoped3A : memref<!tpu.dma_semaphore, #tpu.memory_space<semaphore_mem>>)
      %dma_wait3A_19 = tpu.memref_slice %arg3[%add3A_10] : memref<4096xi32, #tpu.memory_space<hbm>> -> memref<64xi32, #tpu.memory_space<hbm>>
      %dma_wait3A_20 = tpu.memref_slice %arg3[%add3A_10] : memref<4096xi32, #tpu.memory_space<hbm>> -> memref<64xi32, #tpu.memory_space<hbm>>
      tpu.wait_dma2 semaphore(%run_scoped3A : memref<!tpu.dma_semaphore, #tpu.memory_space<semaphore_mem>>) src(%dma_wait3A_20 : memref<64xi32, #tpu.memory_space<hbm>>) dst(%arg5 : memref<64xi32, #tpu.memory_space<vmem>>)
      tpu.yield
    }) : () -> ()
    %dma_start3A_11 = arith.constant 0 : i32
    %dma_start3A_12 = arith.constant 0 : i32
    %dma_start3A_13 = tpu.memref_slice %arg2[%dma_start3A_11, %dma_start3A_12] : memref<12288x1024xf32, #tpu.memory_space<hbm>> -> memref<12288x1024xf32, #tpu.memory_space<hbm>>
    tpu.enqueue_indirect_dma source(%dma_start3A_13 : memref<12288x1024xf32, #tpu.memory_space<hbm>>) target(%arg6 : memref<64x1024xf32, #tpu.memory_space<vmem>>) offsets(%arg5 : memref<64xi32, #tpu.memory_space<vmem>>) semaphore(%arg7 : memref<!tpu.dma_semaphore, #tpu.memory_space<semaphore_mem>>)
    %dma_wait3A_14 = arith.constant 0 : i32
    %dma_wait3A_15 = arith.constant 0 : i32
    %dma_wait3A_16 = tpu.memref_slice %arg2[%dma_wait3A_14, %dma_wait3A_15] : memref<12288x1024xf32, #tpu.memory_space<hbm>> -> memref<12288x1024xf32, #tpu.memory_space<hbm>>
    tpu.wait_indirect_dma semaphore(%arg7 : memref<!tpu.dma_semaphore, #tpu.memory_space<semaphore_mem>>) src(%dma_wait3A_16 : memref<12288x1024xf32, #tpu.memory_space<hbm>>) dst(%arg6 : memref<64x1024xf32, #tpu.memory_space<vmem>>)
    "tpu.region"() ({
      %run_scoped3A = tpu.sem_alloc : memref<!tpu.dma_semaphore, #tpu.memory_space<semaphore_mem>>
      %dma_start3A_17 = arith.constant 0 : i32
      %dma_start3A_18 = tpu.memref_slice %arg4[%add3A_10, %dma_start3A_17] : memref<4096x1024xf32, #tpu.memory_space<hbm>> -> memref<64x1024xf32, #tpu.memory_space<hbm>>
      %dma_start3A_19 = arith.constant 0 : i32
      %dma_start3A_20 = tpu.memref_slice %arg4[%add3A_10, %dma_start3A_19] : memref<4096x1024xf32, #tpu.memory_space<hbm>> -> memref<64x1024xf32, #tpu.memory_space<hbm>>
      tpu.enqueue_dma source(%arg6 : memref<64x1024xf32, #tpu.memory_space<vmem>>) target(%dma_start3A_20 : memref<64x1024xf32, #tpu.memory_space<hbm>>) target_semaphore(%run_scoped3A : memref<!tpu.dma_semaphore, #tpu.memory_space<semaphore_mem>>)
      %dma_wait3A_21 = arith.constant 0 : i32
      %dma_wait3A_22 = tpu.memref_slice %arg4[%add3A_10, %dma_wait3A_21] : memref<4096x1024xf32, #tpu.memory_space<hbm>> -> memref<64x1024xf32, #tpu.memory_space<hbm>>
      %dma_wait3A_23 = arith.constant 0 : i32
      %dma_wait3A_24 = tpu.memref_slice %arg4[%add3A_10, %dma_wait3A_23] : memref<4096x1024xf32, #tpu.memory_space<hbm>> -> memref<64x1024xf32, #tpu.memory_space<hbm>>
      tpu.wait_dma2 semaphore(%run_scoped3A : memref<!tpu.dma_semaphore, #tpu.memory_space<semaphore_mem>>) src(%arg6 : memref<64x1024xf32, #tpu.memory_space<vmem>>) dst(%dma_wait3A_24 : memref<64x1024xf32, #tpu.memory_space<hbm>>)
      tpu.yield
    }) : () -> ()
    return
  }
}

module attributes {stable_mosaic.version = 14 : i64} {
  func.func @_router_body(%arg0: i32, %arg1: memref<256x1024xf32, #tpu.memory_space<vmem>>, %arg2: memref<64x1024xf32, #tpu.memory_space<vmem>>, %arg3: memref<256x2xi32, #tpu.memory_space<vmem>>, %arg4: memref<256x2xf32, #tpu.memory_space<vmem>>, %arg5: memref<1x64xf32, #tpu.memory_space<vmem>>, %arg6: memref<1x64xf32, #tpu.memory_space<vmem>>, %arg7: memref<1x1xf32, #tpu.memory_space<vmem>>, %arg8: memref<1x1xf32, #tpu.memory_space<vmem>>) attributes {dimension_semantics = [#tpu.dimension_semantics<arbitrary>], iteration_bounds = array<i64: 8>, scalar_prefetch = 0 : i64, scratch_operands = 0 : i64, tpu.core_type = #tpu.core_type<tc>, window_params = [{transform_indices = @transform_0, window_bounds = array<i64: 256, 1024>}, {pipeline_mode = #tpu.pipeline_mode<synchronous>, transform_indices = @transform_1, window_bounds = array<i64: 64, 1024>}, {transform_indices = @transform_2, window_bounds = array<i64: 256, 2>}, {transform_indices = @transform_3, window_bounds = array<i64: 256, 2>}, {pipeline_mode = #tpu.pipeline_mode<synchronous>, transform_indices = @transform_4, window_bounds = array<i64: 1, 64>}, {pipeline_mode = #tpu.pipeline_mode<synchronous>, transform_indices = @transform_5, window_bounds = array<i64: 1, 64>}, {pipeline_mode = #tpu.pipeline_mode<synchronous>, transform_indices = @transform_6, window_bounds = array<i64: 1, 1>}, {pipeline_mode = #tpu.pipeline_mode<synchronous>, transform_indices = @transform_7, window_bounds = array<i64: 1, 1>}]} {
    %get3A = arith.constant 0 : index
    %get3A_0 = arith.constant 0 : index
    %get3A_1 = vector.load %arg1[%get3A, %get3A_0] : memref<256x1024xf32, #tpu.memory_space<vmem>>, vector<256x1024xf32>
    %ne3A = arith.cmpf one, %get3A_1, %get3A_1 : vector<256x1024xf32>
    %broadcast_in_dim3A = arith.constant 0.000000e+00 : f32
    %broadcast_in_dim3A_2 = vector.broadcast %broadcast_in_dim3A : f32 to vector<256x1024xf32>
    %select_n3A = arith.select %ne3A, %broadcast_in_dim3A_2, %get3A_1 : vector<256x1024xi1>, vector<256x1024xf32>
    %jit3A = arith.constant -1.000000e+03 : f32
    %jit3A_3 = arith.constant 1.000000e+03 : f32
    %max3A = vector.broadcast %jit3A : f32 to vector<256x1024xf32>
    %max3A_4 = arith.maximumf %max3A, %select_n3A : vector<256x1024xf32>
    %min3A = vector.broadcast %jit3A_3 : f32 to vector<256x1024xf32>
    %min3A_5 = arith.minimumf %min3A, %max3A_4 : vector<256x1024xf32>
    %reduce_sum3A = arith.constant dense<0.000000e+00> : vector<256xf32>
    %reduce_sum3A_6 = vector.multi_reduction <add>, %min3A_5, %reduce_sum3A [1] : vector<256x1024xf32> to vector<256xf32>
    %broadcast_in_dim3A_7 = vector.shape_cast %reduce_sum3A_6 : vector<256xf32> to vector<256x1xf32>
    %div3A = arith.constant 1.024000e+03 : f32
    %div3A_8 = vector.broadcast %div3A : f32 to vector<256x1xf32>
    %div3A_9 = arith.divf %broadcast_in_dim3A_7, %div3A_8 : vector<256x1xf32>
    %sub3A = vector.broadcast %div3A_9 : vector<256x1xf32> to vector<256x1024xf32>
    %sub3A_10 = arith.subf %min3A_5, %sub3A : vector<256x1024xf32>
    %integer_pow3A = arith.mulf %sub3A_10, %sub3A_10 : vector<256x1024xf32>
    %reduce_sum3A_11 = arith.constant dense<0.000000e+00> : vector<256xf32>
    %reduce_sum3A_12 = vector.multi_reduction <add>, %integer_pow3A, %reduce_sum3A_11 [1] : vector<256x1024xf32> to vector<256xf32>
    %broadcast_in_dim3A_13 = vector.shape_cast %reduce_sum3A_12 : vector<256xf32> to vector<256x1xf32>
    %div3A_14 = arith.constant 1.024000e+03 : f32
    %div3A_15 = vector.broadcast %div3A_14 : f32 to vector<256x1xf32>
    %div3A_16 = arith.divf %broadcast_in_dim3A_13, %div3A_15 : vector<256x1xf32>
    %sub3A_17 = vector.broadcast %div3A_9 : vector<256x1xf32> to vector<256x1024xf32>
    %sub3A_18 = arith.subf %min3A_5, %sub3A_17 : vector<256x1024xf32>
    %add3A = arith.constant 9.99999974E-6 : f32
    %add3A_19 = vector.broadcast %add3A : f32 to vector<256x1xf32>
    %add3A_20 = arith.addf %div3A_16, %add3A_19 : vector<256x1xf32>
    %sqrt3A = math.sqrt %add3A_20 : vector<256x1xf32>
    %div3A_21 = vector.broadcast %sqrt3A : vector<256x1xf32> to vector<256x1024xf32>
    %div3A_22 = arith.divf %sub3A_18, %div3A_21 : vector<256x1024xf32>
    %ne3A_23 = arith.cmpf one, %div3A_22, %div3A_22 : vector<256x1024xf32>
    %broadcast_in_dim3A_24 = arith.constant 0.000000e+00 : f32
    %broadcast_in_dim3A_25 = vector.broadcast %broadcast_in_dim3A_24 : f32 to vector<256x1024xf32>
    %select_n3A_26 = arith.select %ne3A_23, %broadcast_in_dim3A_25, %div3A_22 : vector<256x1024xi1>, vector<256x1024xf32>
    %jit3A_27 = arith.constant -1.000000e+02 : f32
    %jit3A_28 = arith.constant 1.000000e+02 : f32
    %max3A_29 = vector.broadcast %jit3A_27 : f32 to vector<256x1024xf32>
    %max3A_30 = arith.maximumf %max3A_29, %select_n3A_26 : vector<256x1024xf32>
    %min3A_31 = vector.broadcast %jit3A_28 : f32 to vector<256x1024xf32>
    %min3A_32 = arith.minimumf %min3A_31, %max3A_30 : vector<256x1024xf32>
    %get3A_33 = arith.constant 0 : index
    %get3A_34 = arith.constant 0 : index
    %get3A_35 = vector.load %arg2[%get3A_33, %get3A_34] : memref<64x1024xf32, #tpu.memory_space<vmem>>, vector<64x1024xf32>
    %dot_general3A = arith.constant dense<0.000000e+00> : vector<256x64xf32>
    %dot_general3A_36 = tpu.matmul %min3A_32, %get3A_35, %dot_general3A {dimension_numbers = #tpu.dot_dimension_numbers<[1], [1], [0], [0], [0, 0, 1, 0], [], []>, transpose_lhs_hint = false} : vector<256x1024xf32>, vector<64x1024xf32>, vector<256x64xf32> -> vector<256x64xf32>
    %jit3A_37 = arith.constant -2.000000e+01 : f32
    %jit3A_38 = arith.constant 2.000000e+01 : f32
    %max3A_39 = vector.broadcast %jit3A_37 : f32 to vector<256x64xf32>
    %max3A_40 = arith.maximumf %max3A_39, %dot_general3A_36 : vector<256x64xf32>
    %min3A_41 = vector.broadcast %jit3A_38 : f32 to vector<256x64xf32>
    %min3A_42 = arith.minimumf %min3A_41, %max3A_40 : vector<256x64xf32>
    %reduce_max3A = arith.constant dense<0xFF800000> : vector<256xf32>
    %reduce_max3A_43 = vector.multi_reduction <maximumf>, %min3A_42, %reduce_max3A [1] : vector<256x64xf32> to vector<256xf32>
    %broadcast_in_dim3A_44 = vector.shape_cast %reduce_max3A_43 : vector<256xf32> to vector<256x1xf32>
    %sub3A_45 = vector.broadcast %broadcast_in_dim3A_44 : vector<256x1xf32> to vector<256x64xf32>
    %sub3A_46 = arith.subf %min3A_42, %sub3A_45 : vector<256x64xf32>
    %exp3A = math.exp %sub3A_46 : vector<256x64xf32>
    %reduce_sum3A_47 = arith.constant dense<0.000000e+00> : vector<256xf32>
    %reduce_sum3A_48 = vector.multi_reduction <add>, %exp3A, %reduce_sum3A_47 [1] : vector<256x64xf32> to vector<256xf32>
    %broadcast_in_dim3A_49 = vector.shape_cast %reduce_sum3A_48 : vector<256xf32> to vector<256x1xf32>
    %div3A_50 = vector.broadcast %broadcast_in_dim3A_49 : vector<256x1xf32> to vector<256x64xf32>
    %div3A_51 = arith.divf %exp3A, %div3A_50 : vector<256x64xf32>
    %jit3A_52 = arith.constant 9.99999974E-6 : f32
    %jit3A_53 = arith.constant 1.000000e+00 : f32
    %max3A_54 = vector.broadcast %jit3A_52 : f32 to vector<256x64xf32>
    %max3A_55 = arith.maximumf %max3A_54, %div3A_51 : vector<256x64xf32>
    %min3A_56 = vector.broadcast %jit3A_53 : f32 to vector<256x64xf32>
    %min3A_57 = arith.minimumf %min3A_56, %max3A_55 : vector<256x64xf32>
    %iota3A = tpu.iota {dimensions = array<i32: 1>} : vector<256x64xi32>
    %reduce_max3A_58 = arith.constant dense<0xFF800000> : vector<256xf32>
    %reduce_max3A_59 = vector.multi_reduction <maximumf>, %min3A_57, %reduce_max3A_58 [1] : vector<256x64xf32> to vector<256xf32>
    %broadcast_in_dim3A_60 = vector.shape_cast %reduce_max3A_59 : vector<256xf32> to vector<256x1xf32>
    %eq3A = vector.broadcast %broadcast_in_dim3A_60 : vector<256x1xf32> to vector<256x64xf32>
    %eq3A_61 = arith.cmpf oeq, %min3A_57, %eq3A : vector<256x64xf32>
    %jit3A_62 = arith.constant 64 : i32
    %broadcast_in_dim3A_63 = vector.broadcast %jit3A_62 : i32 to vector<256x64xi32>
    %select_n3A_64 = arith.select %eq3A_61, %iota3A, %broadcast_in_dim3A_63 : vector<256x64xi1>, vector<256x64xi32>
    %reduce_min3A = arith.constant dense<2147483647> : vector<256xi32>
    %reduce_min3A_65 = vector.multi_reduction <minsi>, %select_n3A_64, %reduce_min3A [1] : vector<256x64xi32> to vector<256xi32>
    %broadcast_in_dim3A_66 = vector.shape_cast %reduce_min3A_65 : vector<256xi32> to vector<256x1xi32>
    %eq3A_67 = vector.broadcast %broadcast_in_dim3A_66 : vector<256x1xi32> to vector<256x64xi32>
    %eq3A_68 = arith.cmpi eq, %iota3A, %eq3A_67 : vector<256x64xi32>
    %jit3A_69 = arith.constant -1.000000e+00 : f32
    %broadcast_in_dim3A_70 = vector.broadcast %jit3A_69 : f32 to vector<256x64xf32>
    %select_n3A_71 = arith.select %eq3A_68, %broadcast_in_dim3A_70, %min3A_57 : vector<256x64xi1>, vector<256x64xf32>
    %reduce_max3A_72 = arith.constant dense<0xFF800000> : vector<256xf32>
    %reduce_max3A_73 = vector.multi_reduction <maximumf>, %select_n3A_71, %reduce_max3A_72 [1] : vector<256x64xf32> to vector<256xf32>
    %broadcast_in_dim3A_74 = vector.shape_cast %reduce_max3A_73 : vector<256xf32> to vector<256x1xf32>
    %eq3A_75 = vector.broadcast %broadcast_in_dim3A_74 : vector<256x1xf32> to vector<256x64xf32>
    %eq3A_76 = arith.cmpf oeq, %select_n3A_71, %eq3A_75 : vector<256x64xf32>
    %jit3A_77 = arith.constant 64 : i32
    %broadcast_in_dim3A_78 = vector.broadcast %jit3A_77 : i32 to vector<256x64xi32>
    %select_n3A_79 = arith.select %eq3A_76, %iota3A, %broadcast_in_dim3A_78 : vector<256x64xi1>, vector<256x64xi32>
    %reduce_min3A_80 = arith.constant dense<2147483647> : vector<256xi32>
    %reduce_min3A_81 = vector.multi_reduction <minsi>, %select_n3A_79, %reduce_min3A_80 [1] : vector<256x64xi32> to vector<256xi32>
    %broadcast_in_dim3A_82 = vector.shape_cast %reduce_min3A_81 : vector<256xi32> to vector<256x1xi32>
    %add3A_83 = arith.addf %broadcast_in_dim3A_60, %broadcast_in_dim3A_74 : vector<256x1xf32>
    %max3A_84 = arith.constant 9.99999974E-6 : f32
    %max3A_85 = vector.broadcast %max3A_84 : f32 to vector<256x1xf32>
    %max3A_86 = arith.maximumf %add3A_83, %max3A_85 : vector<256x1xf32>
    %concatenate3A = tpu.concatenate %broadcast_in_dim3A_66, %broadcast_in_dim3A_82 in 1 : vector<256x1xi32>, vector<256x1xi32> -> vector<256x2xi32>
    %swap3A = arith.constant 0 : index
    %swap3A_87 = arith.constant 0 : index
    %swap3A_88 = vector.load %arg3[%swap3A, %swap3A_87] : memref<256x2xi32, #tpu.memory_space<vmem>>, vector<256x2xi32>
    tpu.vector_store %arg3[%swap3A, %swap3A_87], %concatenate3A {strides = array<i32>} : memref<256x2xi32, #tpu.memory_space<vmem>>, vector<256x2xi32>,
    %div3A_89 = arith.divf %broadcast_in_dim3A_60, %max3A_86 : vector<256x1xf32>
    %div3A_90 = arith.divf %broadcast_in_dim3A_74, %max3A_86 : vector<256x1xf32>
    %concatenate3A_91 = tpu.concatenate %div3A_89, %div3A_90 in 1 : vector<256x1xf32>, vector<256x1xf32> -> vector<256x2xf32>
    %swap3A_92 = arith.constant 0 : index
    %swap3A_93 = arith.constant 0 : index
    %swap3A_94 = vector.load %arg4[%swap3A_92, %swap3A_93] : memref<256x2xf32, #tpu.memory_space<vmem>>, vector<256x2xf32>
    tpu.vector_store %arg4[%swap3A_92, %swap3A_93], %concatenate3A_91 {strides = array<i32>} : memref<256x2xf32, #tpu.memory_space<vmem>>, vector<256x2xf32>,
    %eq3A_95 = vector.broadcast %broadcast_in_dim3A_66 : vector<256x1xi32> to vector<256x64xi32>
    %eq3A_96 = arith.cmpi eq, %iota3A, %eq3A_95 : vector<256x64xi32>
    %convert_element_type3A = arith.extui %eq3A_96 : vector<256x64xi1> to vector<256x64xi32>
    %convert_element_type3A_97 = arith.sitofp %convert_element_type3A : vector<256x64xi32> to vector<256x64xf32>
    %eq3A_98 = vector.broadcast %broadcast_in_dim3A_82 : vector<256x1xi32> to vector<256x64xi32>
    %eq3A_99 = arith.cmpi eq, %iota3A, %eq3A_98 : vector<256x64xi32>
    %convert_element_type3A_100 = arith.extui %eq3A_99 : vector<256x64xi1> to vector<256x64xi32>
    %convert_element_type3A_101 = arith.sitofp %convert_element_type3A_100 : vector<256x64xi32> to vector<256x64xf32>
    %add3A_102 = arith.addf %convert_element_type3A_97, %convert_element_type3A_101 : vector<256x64xf32>
    %reduce_sum3A_103 = arith.constant dense<0.000000e+00> : vector<64xf32>
    %reduce_sum3A_104 = vector.multi_reduction <add>, %add3A_102, %reduce_sum3A_103 [0] : vector<256x64xf32> to vector<64xf32>
    %broadcast_in_dim3A_105 = vector.shape_cast %reduce_sum3A_104 : vector<64xf32> to vector<1x64xf32>
    %reduce_sum3A_106 = arith.constant dense<0.000000e+00> : vector<64xf32>
    %reduce_sum3A_107 = vector.multi_reduction <add>, %min3A_57, %reduce_sum3A_106 [0] : vector<256x64xf32> to vector<64xf32>
    %broadcast_in_dim3A_108 = vector.shape_cast %reduce_sum3A_107 : vector<64xf32> to vector<1x64xf32>
    %log3A = math.log %broadcast_in_dim3A_49 : vector<256x1xf32>
    %add3A_109 = arith.addf %broadcast_in_dim3A_44, %log3A : vector<256x1xf32>
    %mul3A = arith.mulf %add3A_109, %add3A_109 : vector<256x1xf32>
    %reduce_sum3A_110 = arith.constant dense<0.000000e+00> : vector<1xf32>
    %reduce_sum3A_111 = vector.multi_reduction <add>, %mul3A, %reduce_sum3A_110 [0] : vector<256x1xf32> to vector<1xf32>
    %broadcast_in_dim3A_112 = vector.shape_cast %reduce_sum3A_111 : vector<1xf32> to vector<1x1xf32>
    %eq3A_113 = arith.constant 0 : i32
    %eq3A_114 = arith.cmpi eq, %arg0, %eq3A_113 : i32
    %convert_element_type3A_115 = arith.extui %eq3A_114 : i1 to i32
    %cond3A = arith.constant 0 : i32
    %cond3A_116 = arith.cmpi ne, %convert_element_type3A_115, %cond3A : i32
    scf.if %cond3A_116 {
      %swap3A_126 = arith.constant 0 : index
      %swap3A_127 = arith.constant 0 : index
      %swap3A_128 = vector.load %arg5[%swap3A_126, %swap3A_127] : memref<1x64xf32, #tpu.memory_space<vmem>>, vector<1x64xf32>
      tpu.vector_store %arg5[%swap3A_126, %swap3A_127], %broadcast_in_dim3A_105 {strides = array<i32>} : memref<1x64xf32, #tpu.memory_space<vmem>>, vector<1x64xf32>,
      %swap3A_129 = arith.constant 0 : index
      %swap3A_130 = arith.constant 0 : index
      %swap3A_131 = vector.load %arg6[%swap3A_129, %swap3A_130] : memref<1x64xf32, #tpu.memory_space<vmem>>, vector<1x64xf32>
      tpu.vector_store %arg6[%swap3A_129, %swap3A_130], %broadcast_in_dim3A_108 {strides = array<i32>} : memref<1x64xf32, #tpu.memory_space<vmem>>, vector<1x64xf32>,
      %swap3A_132 = arith.constant 0 : index
      %swap3A_133 = arith.constant 0 : index
      %swap3A_134 = vector.load %arg7[%swap3A_132, %swap3A_133] : memref<1x1xf32, #tpu.memory_space<vmem>>, vector<1x1xf32>
      tpu.vector_store %arg7[%swap3A_132, %swap3A_133], %broadcast_in_dim3A_112 {strides = array<i32>} : memref<1x1xf32, #tpu.memory_space<vmem>>, vector<1x1xf32>,
    } else {
    }
    %gt3A = arith.constant 0 : i32
    %gt3A_117 = arith.cmpi sgt, %arg0, %gt3A : i32
    %convert_element_type3A_118 = arith.extui %gt3A_117 : i1 to i32
    %cond3A_119 = arith.constant 0 : i32
    %cond3A_120 = arith.cmpi ne, %convert_element_type3A_118, %cond3A_119 : i32
    scf.if %cond3A_120 {
      %get3A_126 = arith.constant 0 : index
      %get3A_127 = arith.constant 0 : index
      %get3A_128 = vector.load %arg5[%get3A_126, %get3A_127] : memref<1x64xf32, #tpu.memory_space<vmem>>, vector<1x64xf32>
      %add3A_129 = arith.addf %get3A_128, %broadcast_in_dim3A_105 : vector<1x64xf32>
      %swap3A_130 = arith.constant 0 : index
      %swap3A_131 = arith.constant 0 : index
      %swap3A_132 = vector.load %arg5[%swap3A_130, %swap3A_131] : memref<1x64xf32, #tpu.memory_space<vmem>>, vector<1x64xf32>
      tpu.vector_store %arg5[%swap3A_130, %swap3A_131], %add3A_129 {strides = array<i32>} : memref<1x64xf32, #tpu.memory_space<vmem>>, vector<1x64xf32>,
      %get3A_133 = arith.constant 0 : index
      %get3A_134 = arith.constant 0 : index
      %get3A_135 = vector.load %arg6[%get3A_133, %get3A_134] : memref<1x64xf32, #tpu.memory_space<vmem>>, vector<1x64xf32>
      %add3A_136 = arith.addf %get3A_135, %broadcast_in_dim3A_108 : vector<1x64xf32>
      %swap3A_137 = arith.constant 0 : index
      %swap3A_138 = arith.constant 0 : index
      %swap3A_139 = vector.load %arg6[%swap3A_137, %swap3A_138] : memref<1x64xf32, #tpu.memory_space<vmem>>, vector<1x64xf32>
      tpu.vector_store %arg6[%swap3A_137, %swap3A_138], %add3A_136 {strides = array<i32>} : memref<1x64xf32, #tpu.memory_space<vmem>>, vector<1x64xf32>,
      %get3A_140 = arith.constant 0 : index
      %get3A_141 = arith.constant 0 : index
      %get3A_142 = vector.load %arg7[%get3A_140, %get3A_141] : memref<1x1xf32, #tpu.memory_space<vmem>>, vector<1x1xf32>
      %add3A_143 = arith.addf %get3A_142, %broadcast_in_dim3A_112 : vector<1x1xf32>
      %swap3A_144 = arith.constant 0 : index
      %swap3A_145 = arith.constant 0 : index
      %swap3A_146 = vector.load %arg7[%swap3A_144, %swap3A_145] : memref<1x1xf32, #tpu.memory_space<vmem>>, vector<1x1xf32>
      tpu.vector_store %arg7[%swap3A_144, %swap3A_145], %add3A_143 {strides = array<i32>} : memref<1x1xf32, #tpu.memory_space<vmem>>, vector<1x1xf32>,
    } else {
    }
    %eq3A_121 = arith.constant 7 : i32
    %eq3A_122 = arith.cmpi eq, %arg0, %eq3A_121 : i32
    %convert_element_type3A_123 = arith.extui %eq3A_122 : i1 to i32
    %cond3A_124 = arith.constant 0 : i32
    %cond3A_125 = arith.cmpi ne, %convert_element_type3A_123, %cond3A_124 : i32
    scf.if %cond3A_125 {
      %get3A_126 = arith.constant 0 : index
      %get3A_127 = arith.constant 0 : index
      %get3A_128 = vector.load %arg5[%get3A_126, %get3A_127] : memref<1x64xf32, #tpu.memory_space<vmem>>, vector<1x64xf32>
      %div3A_129 = arith.constant 4.096000e+03 : f32
      %div3A_130 = vector.broadcast %div3A_129 : f32 to vector<1x64xf32>
      %div3A_131 = arith.divf %get3A_128, %div3A_130 : vector<1x64xf32>
      %get3A_132 = arith.constant 0 : index
      %get3A_133 = arith.constant 0 : index
      %get3A_134 = vector.load %arg6[%get3A_132, %get3A_133] : memref<1x64xf32, #tpu.memory_space<vmem>>, vector<1x64xf32>
      %div3A_135 = arith.constant 2.048000e+03 : f32
      %div3A_136 = vector.broadcast %div3A_135 : f32 to vector<1x64xf32>
      %div3A_137 = arith.divf %get3A_134, %div3A_136 : vector<1x64xf32>
      %mul3A_138 = arith.mulf %div3A_131, %div3A_137 : vector<1x64xf32>
      %reduce_sum3A_139 = arith.constant dense<0.000000e+00> : vector<1xf32>
      %reduce_sum3A_140 = vector.multi_reduction <add>, %mul3A_138, %reduce_sum3A_139 [1] : vector<1x64xf32> to vector<1xf32>
      %broadcast_in_dim3A_141 = vector.shape_cast %reduce_sum3A_140 : vector<1xf32> to vector<1x1xf32>
      %mul3A_142 = arith.constant 6.400000e+01 : f32
      %mul3A_143 = vector.broadcast %mul3A_142 : f32 to vector<1x1xf32>
      %mul3A_144 = arith.mulf %mul3A_143, %broadcast_in_dim3A_141 : vector<1x1xf32>
      %get3A_145 = arith.constant 0 : index
      %get3A_146 = arith.constant 0 : index
      %get3A_147 = vector.load %arg7[%get3A_145, %get3A_146] : memref<1x1xf32, #tpu.memory_space<vmem>>, vector<1x1xf32>
      %div3A_148 = arith.constant 2.048000e+03 : f32
      %div3A_149 = vector.broadcast %div3A_148 : f32 to vector<1x1xf32>
      %div3A_150 = arith.divf %get3A_147, %div3A_149 : vector<1x1xf32>
      %mul3A_151 = arith.constant 1.000000e-03 : f32
      %mul3A_152 = vector.broadcast %mul3A_151 : f32 to vector<1x1xf32>
      %mul3A_153 = arith.mulf %mul3A_152, %div3A_150 : vector<1x1xf32>
      %add3A_154 = arith.addf %mul3A_144, %mul3A_153 : vector<1x1xf32>
      %swap3A_155 = arith.constant 0 : index
      %swap3A_156 = arith.constant 0 : index
      %swap3A_157 = vector.load %arg8[%swap3A_155, %swap3A_156] : memref<1x1xf32, #tpu.memory_space<vmem>>, vector<1x1xf32>
      tpu.vector_store %arg8[%swap3A_155, %swap3A_156], %add3A_154 {strides = array<i32>} : memref<1x1xf32, #tpu.memory_space<vmem>>, vector<1x1xf32>,
    } else {
    }
    return
  }
  func.func @transform_0(%arg0: i32) -> (i32, i32) {
    %c0_i32 = arith.constant 0 : i32
    %c0_i32_0 = arith.constant 0 : i32
    return %arg0, %c0_i32 : i32, i32
  }
  func.func @transform_1(%arg0: i32) -> (i32, i32) {
    %c0_i32 = arith.constant 0 : i32
    %c0_i32_0 = arith.constant 0 : i32
    %c0_i32_1 = arith.constant 0 : i32
    return %c0_i32, %c0_i32_0 : i32, i32
  }
  func.func @transform_2(%arg0: i32) -> (i32, i32) {
    %c0_i32 = arith.constant 0 : i32
    %c0_i32_0 = arith.constant 0 : i32
    return %arg0, %c0_i32 : i32, i32
  }
  func.func @transform_3(%arg0: i32) -> (i32, i32) {
    %c0_i32 = arith.constant 0 : i32
    %c0_i32_0 = arith.constant 0 : i32
    return %arg0, %c0_i32 : i32, i32
  }
  func.func @transform_4(%arg0: i32) -> (i32, i32) {
    %c0_i32 = arith.constant 0 : i32
    %c0_i32_0 = arith.constant 0 : i32
    %c0_i32_1 = arith.constant 0 : i32
    return %c0_i32, %c0_i32_0 : i32, i32
  }
  func.func @transform_5(%arg0: i32) -> (i32, i32) {
    %c0_i32 = arith.constant 0 : i32
    %c0_i32_0 = arith.constant 0 : i32
    %c0_i32_1 = arith.constant 0 : i32
    return %c0_i32, %c0_i32_0 : i32, i32
  }
  func.func @transform_6(%arg0: i32) -> (i32, i32) {
    %c0_i32 = arith.constant 0 : i32
    %c0_i32_0 = arith.constant 0 : i32
    %c0_i32_1 = arith.constant 0 : i32
    return %c0_i32, %c0_i32_0 : i32, i32
  }
  func.func @transform_7(%arg0: i32) -> (i32, i32) {
    %c0_i32 = arith.constant 0 : i32
    %c0_i32_0 = arith.constant 0 : i32
    %c0_i32_1 = arith.constant 0 : i32
    return %c0_i32, %c0_i32_0 : i32, i32
  }
}

module attributes {stable_mosaic.version = 14 : i64} {
  func.func @_ffn_body(%arg0: i32, %arg1: memref<96xi32, #tpu.memory_space<smem>>, %arg2: memref<96xi32, #tpu.memory_space<smem>>, %arg3: memref<128x1024xf32, #tpu.memory_space<vmem>>, %arg4: memref<1x1024x1024xf32, #tpu.memory_space<vmem>>, %arg5: memref<1x1024x1024xf32, #tpu.memory_space<vmem>>, %arg6: memref<1x1024x1024xf32, #tpu.memory_space<vmem>>, %arg7: memref<128x1024xf32, #tpu.memory_space<vmem>>) attributes {dimension_semantics = [#tpu.dimension_semantics<arbitrary>], iteration_bounds = array<i64: 96>, scalar_prefetch = 2 : i64, scratch_operands = 0 : i64, tpu.core_type = #tpu.core_type<tc>, window_params = [{transform_indices = @transform_0, window_bounds = array<i64: 128, 1024>}, {transform_indices = @transform_1, window_bounds = array<i64: 1, 1024, 1024>}, {transform_indices = @transform_2, window_bounds = array<i64: 1, 1024, 1024>}, {transform_indices = @transform_3, window_bounds = array<i64: 1, 1024, 1024>}, {transform_indices = @transform_4, window_bounds = array<i64: 128, 1024>}]} {
    %get3A = arith.index_cast %arg0 : i32 to index
    %get3A_0 = memref.load %arg2[%get3A] : memref<96xi32, #tpu.memory_space<smem>>
    %gt3A = arith.constant 0 : i32
    %gt3A_1 = arith.cmpi sgt, %get3A_0, %gt3A : i32
    %convert_element_type3A = arith.extui %gt3A_1 : i1 to i32
    %cond3A = arith.constant 0 : i32
    %cond3A_2 = arith.cmpi ne, %convert_element_type3A, %cond3A : i32
    scf.if %cond3A_2 {
      %get3A_3 = arith.constant 0 : index
      %get3A_4 = arith.constant 0 : index
      %get3A_5 = vector.load %arg3[%get3A_3, %get3A_4] : memref<128x1024xf32, #tpu.memory_space<vmem>>, vector<128x1024xf32>
      %ne3A = arith.cmpf one, %get3A_5, %get3A_5 : vector<128x1024xf32>
      %broadcast_in_dim3A = arith.constant 0.000000e+00 : f32
      %broadcast_in_dim3A_6 = vector.broadcast %broadcast_in_dim3A : f32 to vector<128x1024xf32>
      %select_n3A = arith.select %ne3A, %broadcast_in_dim3A_6, %get3A_5 : vector<128x1024xi1>, vector<128x1024xf32>
      %jit3A = arith.constant -1.000000e+03 : f32
      %jit3A_7 = arith.constant 1.000000e+03 : f32
      %max3A = vector.broadcast %jit3A : f32 to vector<128x1024xf32>
      %max3A_8 = arith.maximumf %max3A, %select_n3A : vector<128x1024xf32>
      %min3A = vector.broadcast %jit3A_7 : f32 to vector<128x1024xf32>
      %min3A_9 = arith.minimumf %min3A, %max3A_8 : vector<128x1024xf32>
      %get3A_10 = arith.constant 0 : index
      %get3A_11 = arith.constant 0 : index
      %get3A_12 = arith.constant 0 : index
      %get3A_13 = vector.load %arg4[%get3A_10, %get3A_11, %get3A_12] : memref<1x1024x1024xf32, #tpu.memory_space<vmem>>, vector<1x1024x1024xf32>
      %get3A_14 = vector.shape_cast %get3A_13 : vector<1x1024x1024xf32> to vector<1024x1024xf32>
      %convert_element_type3A_15 = arith.truncf %min3A_9 : vector<128x1024xf32> to vector<128x1024xbf16>
      %convert_element_type3A_16 = arith.truncf %get3A_14 : vector<1024x1024xf32> to vector<1024x1024xbf16>
      %dot_general3A = arith.constant dense<0.000000e+00> : vector<128x1024xf32>
      %dot_general3A_17 = tpu.matmul %convert_element_type3A_15, %convert_element_type3A_16, %dot_general3A {dimension_numbers = #tpu.dot_dimension_numbers<[1], [1], [0], [0], [0, 0, 1, 0], [], []>, transpose_lhs_hint = false} : vector<128x1024xbf16>, vector<1024x1024xbf16>, vector<128x1024xf32> -> vector<128x1024xf32>
      %neg3A = arith.constant 0.000000e+00 : f32
      %neg3A_18 = vector.broadcast %neg3A : f32 to vector<128x1024xf32>
      %neg3A_19 = arith.subf %neg3A_18, %dot_general3A_17 : vector<128x1024xf32>
      %exp3A = math.exp %neg3A_19 : vector<128x1024xf32>
      %add3A = arith.constant 1.000000e+00 : f32
      %add3A_20 = vector.broadcast %add3A : f32 to vector<128x1024xf32>
      %add3A_21 = arith.addf %add3A_20, %exp3A : vector<128x1024xf32>
      %div3A = arith.divf %dot_general3A_17, %add3A_21 : vector<128x1024xf32>
      %ne3A_22 = arith.cmpf one, %div3A, %div3A : vector<128x1024xf32>
      %broadcast_in_dim3A_23 = arith.constant 0.000000e+00 : f32
      %broadcast_in_dim3A_24 = vector.broadcast %broadcast_in_dim3A_23 : f32 to vector<128x1024xf32>
      %select_n3A_25 = arith.select %ne3A_22, %broadcast_in_dim3A_24, %div3A : vector<128x1024xi1>, vector<128x1024xf32>
      %jit3A_26 = arith.constant -1.000000e+03 : f32
      %jit3A_27 = arith.constant 1.000000e+03 : f32
      %max3A_28 = vector.broadcast %jit3A_26 : f32 to vector<128x1024xf32>
      %max3A_29 = arith.maximumf %max3A_28, %select_n3A_25 : vector<128x1024xf32>
      %min3A_30 = vector.broadcast %jit3A_27 : f32 to vector<128x1024xf32>
      %min3A_31 = arith.minimumf %min3A_30, %max3A_29 : vector<128x1024xf32>
      %get3A_32 = arith.constant 0 : index
      %get3A_33 = arith.constant 0 : index
      %get3A_34 = arith.constant 0 : index
      %get3A_35 = vector.load %arg5[%get3A_32, %get3A_33, %get3A_34] : memref<1x1024x1024xf32, #tpu.memory_space<vmem>>, vector<1x1024x1024xf32>
      %get3A_36 = vector.shape_cast %get3A_35 : vector<1x1024x1024xf32> to vector<1024x1024xf32>
      %convert_element_type3A_37 = arith.truncf %min3A_9 : vector<128x1024xf32> to vector<128x1024xbf16>
      %convert_element_type3A_38 = arith.truncf %get3A_36 : vector<1024x1024xf32> to vector<1024x1024xbf16>
      %dot_general3A_39 = arith.constant dense<0.000000e+00> : vector<128x1024xf32>
      %dot_general3A_40 = tpu.matmul %convert_element_type3A_37, %convert_element_type3A_38, %dot_general3A_39 {dimension_numbers = #tpu.dot_dimension_numbers<[1], [1], [0], [0], [0, 0, 1, 0], [], []>, transpose_lhs_hint = false} : vector<128x1024xbf16>, vector<1024x1024xbf16>, vector<128x1024xf32> -> vector<128x1024xf32>
      %ne3A_41 = arith.cmpf one, %dot_general3A_40, %dot_general3A_40 : vector<128x1024xf32>
      %broadcast_in_dim3A_42 = arith.constant 0.000000e+00 : f32
      %broadcast_in_dim3A_43 = vector.broadcast %broadcast_in_dim3A_42 : f32 to vector<128x1024xf32>
      %select_n3A_44 = arith.select %ne3A_41, %broadcast_in_dim3A_43, %dot_general3A_40 : vector<128x1024xi1>, vector<128x1024xf32>
      %jit3A_45 = arith.constant -1.000000e+03 : f32
      %jit3A_46 = arith.constant 1.000000e+03 : f32
      %max3A_47 = vector.broadcast %jit3A_45 : f32 to vector<128x1024xf32>
      %max3A_48 = arith.maximumf %max3A_47, %select_n3A_44 : vector<128x1024xf32>
      %min3A_49 = vector.broadcast %jit3A_46 : f32 to vector<128x1024xf32>
      %min3A_50 = arith.minimumf %min3A_49, %max3A_48 : vector<128x1024xf32>
      %mul3A = arith.mulf %min3A_31, %min3A_50 : vector<128x1024xf32>
      %get3A_51 = arith.constant 0 : index
      %get3A_52 = arith.constant 0 : index
      %get3A_53 = arith.constant 0 : index
      %get3A_54 = vector.load %arg6[%get3A_51, %get3A_52, %get3A_53] : memref<1x1024x1024xf32, #tpu.memory_space<vmem>>, vector<1x1024x1024xf32>
      %get3A_55 = vector.shape_cast %get3A_54 : vector<1x1024x1024xf32> to vector<1024x1024xf32>
      %convert_element_type3A_56 = arith.truncf %mul3A : vector<128x1024xf32> to vector<128x1024xbf16>
      %convert_element_type3A_57 = arith.truncf %get3A_55 : vector<1024x1024xf32> to vector<1024x1024xbf16>
      %dot_general3A_58 = arith.constant dense<0.000000e+00> : vector<128x1024xf32>
      %dot_general3A_59 = tpu.matmul %convert_element_type3A_56, %convert_element_type3A_57, %dot_general3A_58 {dimension_numbers = #tpu.dot_dimension_numbers<[1], [1], [0], [0], [0, 0, 1, 0], [], []>, transpose_lhs_hint = false} : vector<128x1024xbf16>, vector<1024x1024xbf16>, vector<128x1024xf32> -> vector<128x1024xf32>
      %ne3A_60 = arith.cmpf one, %dot_general3A_59, %dot_general3A_59 : vector<128x1024xf32>
      %broadcast_in_dim3A_61 = arith.constant 0.000000e+00 : f32
      %broadcast_in_dim3A_62 = vector.broadcast %broadcast_in_dim3A_61 : f32 to vector<128x1024xf32>
      %select_n3A_63 = arith.select %ne3A_60, %broadcast_in_dim3A_62, %dot_general3A_59 : vector<128x1024xi1>, vector<128x1024xf32>
      %jit3A_64 = arith.constant -1.000000e+03 : f32
      %jit3A_65 = arith.constant 1.000000e+03 : f32
      %max3A_66 = vector.broadcast %jit3A_64 : f32 to vector<128x1024xf32>
      %max3A_67 = arith.maximumf %max3A_66, %select_n3A_63 : vector<128x1024xf32>
      %min3A_68 = vector.broadcast %jit3A_65 : f32 to vector<128x1024xf32>
      %min3A_69 = arith.minimumf %min3A_68, %max3A_67 : vector<128x1024xf32>
      %swap3A = arith.constant 0 : index
      %swap3A_70 = arith.constant 0 : index
      %swap3A_71 = vector.load %arg7[%swap3A, %swap3A_70] : memref<128x1024xf32, #tpu.memory_space<vmem>>, vector<128x1024xf32>
      tpu.vector_store %arg7[%swap3A, %swap3A_70], %min3A_69 {strides = array<i32>} : memref<128x1024xf32, #tpu.memory_space<vmem>>, vector<128x1024xf32>,
    } else {
    }
    return
  }
  func.func @transform_0(%arg0: i32, %arg1: memref<96xi32, #tpu.memory_space<smem>>, %arg2: memref<96xi32, #tpu.memory_space<smem>>) -> (i32, i32) {
    %c0_i32 = arith.constant 0 : i32
    %c0_i32_0 = arith.constant 0 : i32
    return %arg0, %c0_i32 : i32, i32
  }
  func.func @transform_1(%arg0: i32, %arg1: memref<96xi32, #tpu.memory_space<smem>>, %arg2: memref<96xi32, #tpu.memory_space<smem>>) -> (i32, i32, i32) {
    %get3A = arith.index_cast %arg0 : i32 to index
    %get3A_0 = memref.load %arg1[%get3A] : memref<96xi32, #tpu.memory_space<smem>>
    %c0_i32 = arith.constant 0 : i32
    %c0_i32_1 = arith.constant 0 : i32
    %c0_i32_2 = arith.constant 0 : i32
    return %get3A_0, %c0_i32, %c0_i32_1 : i32, i32, i32
  }
  func.func @transform_2(%arg0: i32, %arg1: memref<96xi32, #tpu.memory_space<smem>>, %arg2: memref<96xi32, #tpu.memory_space<smem>>) -> (i32, i32, i32) {
    %get3A = arith.index_cast %arg0 : i32 to index
    %get3A_0 = memref.load %arg1[%get3A] : memref<96xi32, #tpu.memory_space<smem>>
    %c0_i32 = arith.constant 0 : i32
    %c0_i32_1 = arith.constant 0 : i32
    %c0_i32_2 = arith.constant 0 : i32
    return %get3A_0, %c0_i32, %c0_i32_1 : i32, i32, i32
  }
  func.func @transform_3(%arg0: i32, %arg1: memref<96xi32, #tpu.memory_space<smem>>, %arg2: memref<96xi32, #tpu.memory_space<smem>>) -> (i32, i32, i32) {
    %get3A = arith.index_cast %arg0 : i32 to index
    %get3A_0 = memref.load %arg1[%get3A] : memref<96xi32, #tpu.memory_space<smem>>
    %c0_i32 = arith.constant 0 : i32
    %c0_i32_1 = arith.constant 0 : i32
    %c0_i32_2 = arith.constant 0 : i32
    return %get3A_0, %c0_i32, %c0_i32_1 : i32, i32, i32
  }
  func.func @transform_4(%arg0: i32, %arg1: memref<96xi32, #tpu.memory_space<smem>>, %arg2: memref<96xi32, #tpu.memory_space<smem>>) -> (i32, i32) {
    %c0_i32 = arith.constant 0 : i32
    %c0_i32_0 = arith.constant 0 : i32
    return %arg0, %c0_i32 : i32, i32
  }
}

module attributes {stable_mosaic.version = 14 : i64} {
  func.func @_shared_body(%arg0: i32, %arg1: memref<256x1024xf32, #tpu.memory_space<vmem>>, %arg2: memref<1024x1024xf32, #tpu.memory_space<vmem>>, %arg3: memref<1024x1024xf32, #tpu.memory_space<vmem>>, %arg4: memref<1024x1024xf32, #tpu.memory_space<vmem>>, %arg5: memref<1x1xf32, #tpu.memory_space<vmem>>, %arg6: memref<256x1024xf32, #tpu.memory_space<vmem>>) attributes {dimension_semantics = [#tpu.dimension_semantics<arbitrary>], iteration_bounds = array<i64: 8>, scalar_prefetch = 0 : i64, scratch_operands = 0 : i64, tpu.core_type = #tpu.core_type<tc>, window_params = [{transform_indices = @transform_0, window_bounds = array<i64: 256, 1024>}, {pipeline_mode = #tpu.pipeline_mode<synchronous>, transform_indices = @transform_1, window_bounds = array<i64: 1024, 1024>}, {pipeline_mode = #tpu.pipeline_mode<synchronous>, transform_indices = @transform_2, window_bounds = array<i64: 1024, 1024>}, {pipeline_mode = #tpu.pipeline_mode<synchronous>, transform_indices = @transform_3, window_bounds = array<i64: 1024, 1024>}, {pipeline_mode = #tpu.pipeline_mode<synchronous>, transform_indices = @transform_4, window_bounds = array<i64: 1, 1>}, {transform_indices = @transform_5, window_bounds = array<i64: 256, 1024>}]} {
    %get3A = arith.constant 0 : index
    %get3A_0 = arith.constant 0 : index
    %get3A_1 = vector.load %arg1[%get3A, %get3A_0] : memref<256x1024xf32, #tpu.memory_space<vmem>>, vector<256x1024xf32>
    %ne3A = arith.cmpf one, %get3A_1, %get3A_1 : vector<256x1024xf32>
    %broadcast_in_dim3A = arith.constant 0.000000e+00 : f32
    %broadcast_in_dim3A_2 = vector.broadcast %broadcast_in_dim3A : f32 to vector<256x1024xf32>
    %select_n3A = arith.select %ne3A, %broadcast_in_dim3A_2, %get3A_1 : vector<256x1024xi1>, vector<256x1024xf32>
    %jit3A = arith.constant -1.000000e+03 : f32
    %jit3A_3 = arith.constant 1.000000e+03 : f32
    %max3A = vector.broadcast %jit3A : f32 to vector<256x1024xf32>
    %max3A_4 = arith.maximumf %max3A, %select_n3A : vector<256x1024xf32>
    %min3A = vector.broadcast %jit3A_3 : f32 to vector<256x1024xf32>
    %min3A_5 = arith.minimumf %min3A, %max3A_4 : vector<256x1024xf32>
    %get3A_6 = arith.constant 0 : index
    %get3A_7 = arith.constant 0 : index
    %get3A_8 = vector.load %arg2[%get3A_6, %get3A_7] : memref<1024x1024xf32, #tpu.memory_space<vmem>>, vector<1024x1024xf32>
    %convert_element_type3A = arith.truncf %min3A_5 : vector<256x1024xf32> to vector<256x1024xbf16>
    %convert_element_type3A_9 = arith.truncf %get3A_8 : vector<1024x1024xf32> to vector<1024x1024xbf16>
    %dot_general3A = arith.constant dense<0.000000e+00> : vector<256x1024xf32>
    %dot_general3A_10 = tpu.matmul %convert_element_type3A, %convert_element_type3A_9, %dot_general3A {dimension_numbers = #tpu.dot_dimension_numbers<[1], [1], [0], [0], [0, 0, 1, 0], [], []>, transpose_lhs_hint = false} : vector<256x1024xbf16>, vector<1024x1024xbf16>, vector<256x1024xf32> -> vector<256x1024xf32>
    %neg3A = arith.constant 0.000000e+00 : f32
    %neg3A_11 = vector.broadcast %neg3A : f32 to vector<256x1024xf32>
    %neg3A_12 = arith.subf %neg3A_11, %dot_general3A_10 : vector<256x1024xf32>
    %exp3A = math.exp %neg3A_12 : vector<256x1024xf32>
    %add3A = arith.constant 1.000000e+00 : f32
    %add3A_13 = vector.broadcast %add3A : f32 to vector<256x1024xf32>
    %add3A_14 = arith.addf %add3A_13, %exp3A : vector<256x1024xf32>
    %div3A = arith.divf %dot_general3A_10, %add3A_14 : vector<256x1024xf32>
    %ne3A_15 = arith.cmpf one, %div3A, %div3A : vector<256x1024xf32>
    %broadcast_in_dim3A_16 = arith.constant 0.000000e+00 : f32
    %broadcast_in_dim3A_17 = vector.broadcast %broadcast_in_dim3A_16 : f32 to vector<256x1024xf32>
    %select_n3A_18 = arith.select %ne3A_15, %broadcast_in_dim3A_17, %div3A : vector<256x1024xi1>, vector<256x1024xf32>
    %jit3A_19 = arith.constant -1.000000e+03 : f32
    %jit3A_20 = arith.constant 1.000000e+03 : f32
    %max3A_21 = vector.broadcast %jit3A_19 : f32 to vector<256x1024xf32>
    %max3A_22 = arith.maximumf %max3A_21, %select_n3A_18 : vector<256x1024xf32>
    %min3A_23 = vector.broadcast %jit3A_20 : f32 to vector<256x1024xf32>
    %min3A_24 = arith.minimumf %min3A_23, %max3A_22 : vector<256x1024xf32>
    %get3A_25 = arith.constant 0 : index
    %get3A_26 = arith.constant 0 : index
    %get3A_27 = vector.load %arg3[%get3A_25, %get3A_26] : memref<1024x1024xf32, #tpu.memory_space<vmem>>, vector<1024x1024xf32>
    %convert_element_type3A_28 = arith.truncf %min3A_5 : vector<256x1024xf32> to vector<256x1024xbf16>
    %convert_element_type3A_29 = arith.truncf %get3A_27 : vector<1024x1024xf32> to vector<1024x1024xbf16>
    %dot_general3A_30 = arith.constant dense<0.000000e+00> : vector<256x1024xf32>
    %dot_general3A_31 = tpu.matmul %convert_element_type3A_28, %convert_element_type3A_29, %dot_general3A_30 {dimension_numbers = #tpu.dot_dimension_numbers<[1], [1], [0], [0], [0, 0, 1, 0], [], []>, transpose_lhs_hint = false} : vector<256x1024xbf16>, vector<1024x1024xbf16>, vector<256x1024xf32> -> vector<256x1024xf32>
    %ne3A_32 = arith.cmpf one, %dot_general3A_31, %dot_general3A_31 : vector<256x1024xf32>
    %broadcast_in_dim3A_33 = arith.constant 0.000000e+00 : f32
    %broadcast_in_dim3A_34 = vector.broadcast %broadcast_in_dim3A_33 : f32 to vector<256x1024xf32>
    %select_n3A_35 = arith.select %ne3A_32, %broadcast_in_dim3A_34, %dot_general3A_31 : vector<256x1024xi1>, vector<256x1024xf32>
    %jit3A_36 = arith.constant -1.000000e+03 : f32
    %jit3A_37 = arith.constant 1.000000e+03 : f32
    %max3A_38 = vector.broadcast %jit3A_36 : f32 to vector<256x1024xf32>
    %max3A_39 = arith.maximumf %max3A_38, %select_n3A_35 : vector<256x1024xf32>
    %min3A_40 = vector.broadcast %jit3A_37 : f32 to vector<256x1024xf32>
    %min3A_41 = arith.minimumf %min3A_40, %max3A_39 : vector<256x1024xf32>
    %mul3A = arith.mulf %min3A_24, %min3A_41 : vector<256x1024xf32>
    %get3A_42 = arith.constant 0 : index
    %get3A_43 = arith.constant 0 : index
    %get3A_44 = vector.load %arg4[%get3A_42, %get3A_43] : memref<1024x1024xf32, #tpu.memory_space<vmem>>, vector<1024x1024xf32>
    %convert_element_type3A_45 = arith.truncf %mul3A : vector<256x1024xf32> to vector<256x1024xbf16>
    %convert_element_type3A_46 = arith.truncf %get3A_44 : vector<1024x1024xf32> to vector<1024x1024xbf16>
    %dot_general3A_47 = arith.constant dense<0.000000e+00> : vector<256x1024xf32>
    %dot_general3A_48 = tpu.matmul %convert_element_type3A_45, %convert_element_type3A_46, %dot_general3A_47 {dimension_numbers = #tpu.dot_dimension_numbers<[1], [1], [0], [0], [0, 0, 1, 0], [], []>, transpose_lhs_hint = false} : vector<256x1024xbf16>, vector<1024x1024xbf16>, vector<256x1024xf32> -> vector<256x1024xf32>
    %ne3A_49 = arith.cmpf one, %dot_general3A_48, %dot_general3A_48 : vector<256x1024xf32>
    %broadcast_in_dim3A_50 = arith.constant 0.000000e+00 : f32
    %broadcast_in_dim3A_51 = vector.broadcast %broadcast_in_dim3A_50 : f32 to vector<256x1024xf32>
    %select_n3A_52 = arith.select %ne3A_49, %broadcast_in_dim3A_51, %dot_general3A_48 : vector<256x1024xi1>, vector<256x1024xf32>
    %jit3A_53 = arith.constant -1.000000e+03 : f32
    %jit3A_54 = arith.constant 1.000000e+03 : f32
    %max3A_55 = vector.broadcast %jit3A_53 : f32 to vector<256x1024xf32>
    %max3A_56 = arith.maximumf %max3A_55, %select_n3A_52 : vector<256x1024xf32>
    %min3A_57 = vector.broadcast %jit3A_54 : f32 to vector<256x1024xf32>
    %min3A_58 = arith.minimumf %min3A_57, %max3A_56 : vector<256x1024xf32>
    %get3A_59 = arith.constant 0 : index
    %get3A_60 = arith.constant 0 : index
    %get3A_61 = vector.load %arg5[%get3A_59, %get3A_60] : memref<1x1xf32, #tpu.memory_space<vmem>>, vector<1x1xf32>
    %get3A_62 = vector.extract %get3A_61[0, 0] : f32 from vector<1x1xf32>
    %neg3A_63 = arith.constant 0.000000e+00 : f32
    %neg3A_64 = arith.subf %neg3A_63, %get3A_62 : f32
    %exp3A_65 = math.exp %neg3A_64 : f32
    %add3A_66 = arith.constant 1.000000e+00 : f32
    %add3A_67 = arith.addf %add3A_66, %exp3A_65 : f32
    %div3A_68 = arith.constant 1.000000e+00 : f32
    %div3A_69 = arith.divf %div3A_68, %add3A_67 : f32
    %mul3A_70 = vector.broadcast %div3A_69 : f32 to vector<256x1024xf32>
    %mul3A_71 = arith.mulf %min3A_58, %mul3A_70 : vector<256x1024xf32>
    %ne3A_72 = arith.cmpf one, %mul3A_71, %mul3A_71 : vector<256x1024xf32>
    %broadcast_in_dim3A_73 = arith.constant 0.000000e+00 : f32
    %broadcast_in_dim3A_74 = vector.broadcast %broadcast_in_dim3A_73 : f32 to vector<256x1024xf32>
    %select_n3A_75 = arith.select %ne3A_72, %broadcast_in_dim3A_74, %mul3A_71 : vector<256x1024xi1>, vector<256x1024xf32>
    %jit3A_76 = arith.constant -1.000000e+03 : f32
    %jit3A_77 = arith.constant 1.000000e+03 : f32
    %max3A_78 = vector.broadcast %jit3A_76 : f32 to vector<256x1024xf32>
    %max3A_79 = arith.maximumf %max3A_78, %select_n3A_75 : vector<256x1024xf32>
    %min3A_80 = vector.broadcast %jit3A_77 : f32 to vector<256x1024xf32>
    %min3A_81 = arith.minimumf %min3A_80, %max3A_79 : vector<256x1024xf32>
    %swap3A = arith.constant 0 : index
    %swap3A_82 = arith.constant 0 : index
    %swap3A_83 = vector.load %arg6[%swap3A, %swap3A_82] : memref<256x1024xf32, #tpu.memory_space<vmem>>, vector<256x1024xf32>
    tpu.vector_store %arg6[%swap3A, %swap3A_82], %min3A_81 {strides = array<i32>} : memref<256x1024xf32, #tpu.memory_space<vmem>>, vector<256x1024xf32>,
    return
  }
  func.func @transform_0(%arg0: i32) -> (i32, i32) {
    %c0_i32 = arith.constant 0 : i32
    %c0_i32_0 = arith.constant 0 : i32
    return %arg0, %c0_i32 : i32, i32
  }
  func.func @transform_1(%arg0: i32) -> (i32, i32) {
    %c0_i32 = arith.constant 0 : i32
    %c0_i32_0 = arith.constant 0 : i32
    %c0_i32_1 = arith.constant 0 : i32
    return %c0_i32, %c0_i32_0 : i32, i32
  }
  func.func @transform_2(%arg0: i32) -> (i32, i32) {
    %c0_i32 = arith.constant 0 : i32
    %c0_i32_0 = arith.constant 0 : i32
    %c0_i32_1 = arith.constant 0 : i32
    return %c0_i32, %c0_i32_0 : i32, i32
  }
  func.func @transform_3(%arg0: i32) -> (i32, i32) {
    %c0_i32 = arith.constant 0 : i32
    %c0_i32_0 = arith.constant 0 : i32
    %c0_i32_1 = arith.constant 0 : i32
    return %c0_i32, %c0_i32_0 : i32, i32
  }
  func.func @transform_4(%arg0: i32) -> (i32, i32) {
    %c0_i32 = arith.constant 0 : i32
    %c0_i32_0 = arith.constant 0 : i32
    %c0_i32_1 = arith.constant 0 : i32
    return %c0_i32, %c0_i32_0 : i32, i32
  }
  func.func @transform_5(%arg0: i32) -> (i32, i32) {
    %c0_i32 = arith.constant 0 : i32
    %c0_i32_0 = arith.constant 0 : i32
    return %arg0, %c0_i32 : i32, i32
  }
}

module attributes {stable_mosaic.version = 14 : i64} {
  func.func @_combine_body(%arg0: i32, %arg1: memref<256x1024xf32, #tpu.memory_space<vmem>>, %arg2: memref<1x256x1024xf32, #tpu.memory_space<vmem>>, %arg3: memref<1x256x1024xf32, #tpu.memory_space<vmem>>, %arg4: memref<256x2xf32, #tpu.memory_space<vmem>>, %arg5: memref<256x1024xf32, #tpu.memory_space<vmem>>) attributes {dimension_semantics = [#tpu.dimension_semantics<arbitrary>], iteration_bounds = array<i64: 8>, scalar_prefetch = 0 : i64, scratch_operands = 0 : i64, tpu.core_type = #tpu.core_type<tc>, window_params = [{transform_indices = @transform_0, window_bounds = array<i64: 256, 1024>}, {transform_indices = @transform_1, window_bounds = array<i64: 1, 256, 1024>}, {transform_indices = @transform_2, window_bounds = array<i64: 1, 256, 1024>}, {transform_indices = @transform_3, window_bounds = array<i64: 256, 2>}, {transform_indices = @transform_4, window_bounds = array<i64: 256, 1024>}]} {
    %get3A = arith.constant 0 : index
    %get3A_0 = arith.constant 0 : index
    %get3A_1 = vector.load %arg4[%get3A, %get3A_0] : memref<256x2xf32, #tpu.memory_space<vmem>>, vector<256x1xf32>
    %get3A_2 = arith.constant 0 : index
    %get3A_3 = arith.constant 1 : index
    %get3A_4 = vector.load %arg4[%get3A_2, %get3A_3] : memref<256x2xf32, #tpu.memory_space<vmem>>, vector<256x1xf32>
    %get3A_5 = arith.constant 0 : index
    %get3A_6 = arith.constant 0 : index
    %get3A_7 = arith.constant 0 : index
    %get3A_8 = vector.load %arg2[%get3A_5, %get3A_6, %get3A_7] : memref<1x256x1024xf32, #tpu.memory_space<vmem>>, vector<1x256x1024xf32>
    %get3A_9 = vector.shape_cast %get3A_8 : vector<1x256x1024xf32> to vector<256x1024xf32>
    %mul3A = vector.broadcast %get3A_1 : vector<256x1xf32> to vector<256x1024xf32>
    %mul3A_10 = arith.mulf %mul3A, %get3A_9 : vector<256x1024xf32>
    %get3A_11 = arith.constant 0 : index
    %get3A_12 = arith.constant 0 : index
    %get3A_13 = arith.constant 0 : index
    %get3A_14 = vector.load %arg3[%get3A_11, %get3A_12, %get3A_13] : memref<1x256x1024xf32, #tpu.memory_space<vmem>>, vector<1x256x1024xf32>
    %get3A_15 = vector.shape_cast %get3A_14 : vector<1x256x1024xf32> to vector<256x1024xf32>
    %mul3A_16 = vector.broadcast %get3A_4 : vector<256x1xf32> to vector<256x1024xf32>
    %mul3A_17 = arith.mulf %mul3A_16, %get3A_15 : vector<256x1024xf32>
    %add3A = arith.addf %mul3A_10, %mul3A_17 : vector<256x1024xf32>
    %get3A_18 = arith.constant 0 : index
    %get3A_19 = arith.constant 0 : index
    %get3A_20 = vector.load %arg1[%get3A_18, %get3A_19] : memref<256x1024xf32, #tpu.memory_space<vmem>>, vector<256x1024xf32>
    %add3A_21 = arith.addf %add3A, %get3A_20 : vector<256x1024xf32>
    %ne3A = arith.cmpf one, %add3A_21, %add3A_21 : vector<256x1024xf32>
    %broadcast_in_dim3A = arith.constant 0.000000e+00 : f32
    %broadcast_in_dim3A_22 = vector.broadcast %broadcast_in_dim3A : f32 to vector<256x1024xf32>
    %select_n3A = arith.select %ne3A, %broadcast_in_dim3A_22, %add3A_21 : vector<256x1024xi1>, vector<256x1024xf32>
    %jit3A = arith.constant -1.000000e+03 : f32
    %jit3A_23 = arith.constant 1.000000e+03 : f32
    %max3A = vector.broadcast %jit3A : f32 to vector<256x1024xf32>
    %max3A_24 = arith.maximumf %max3A, %select_n3A : vector<256x1024xf32>
    %min3A = vector.broadcast %jit3A_23 : f32 to vector<256x1024xf32>
    %min3A_25 = arith.minimumf %min3A, %max3A_24 : vector<256x1024xf32>
    %swap3A = arith.constant 0 : index
    %swap3A_26 = arith.constant 0 : index
    %swap3A_27 = vector.load %arg5[%swap3A, %swap3A_26] : memref<256x1024xf32, #tpu.memory_space<vmem>>, vector<256x1024xf32>
    tpu.vector_store %arg5[%swap3A, %swap3A_26], %min3A_25 {strides = array<i32>} : memref<256x1024xf32, #tpu.memory_space<vmem>>, vector<256x1024xf32>,
    return
  }
  func.func @transform_0(%arg0: i32) -> (i32, i32) {
    %c0_i32 = arith.constant 0 : i32
    %c0_i32_0 = arith.constant 0 : i32
    return %arg0, %c0_i32 : i32, i32
  }
  func.func @transform_1(%arg0: i32) -> (i32, i32, i32) {
    %c0_i32 = arith.constant 0 : i32
    %c0_i32_0 = arith.constant 0 : i32
    %c0_i32_1 = arith.constant 0 : i32
    return %c0_i32, %arg0, %c0_i32_0 : i32, i32, i32
  }
  func.func @transform_2(%arg0: i32) -> (i32, i32, i32) {
    %c1_i32 = arith.constant 1 : i32
    %c0_i32 = arith.constant 0 : i32
    %c0_i32_0 = arith.constant 0 : i32
    return %c1_i32, %arg0, %c0_i32 : i32, i32, i32
  }
  func.func @transform_3(%arg0: i32) -> (i32, i32) {
    %c0_i32 = arith.constant 0 : i32
    %c0_i32_0 = arith.constant 0 : i32
    return %arg0, %c0_i32 : i32, i32
  }
  func.func @transform_4(%arg0: i32) -> (i32, i32) {
    %c0_i32 = arith.constant 0 : i32
    %c0_i32_0 = arith.constant 0 : i32
    return %arg0, %c0_i32 : i32, i32
  }
}

</mosaic_0001>

<sc_bundles>
// kernel: kernel.11.cloned.1.call-start
scs
__scs_entry_jumppad:
0x0: {  	(pc) =	sbr.rel $0x88, $3  }
0x1: {  	(tag) =	ssettag $0x0;
	lr =	simm.s32 $0x1  }
0x2: {  	[smem:$0x3F98] =	sst lr;
	_ =	strace $0xD0000000  }
0x3: {  	_ = 	snop  }
0x4: {  	_ = 	snop  }
0x5: {  	_ = 	snop  }
0x6: {  	_ = 	snop  }
0x7: {  	_ = 	snop  }
__scs_overlays_trampoline_lowered:
0x8: {  	[smem:$0x3FA7] =	sst s0  }
0x9: {  	[smem:$0x3FA8] =	sst s1  }
0xa: {  	[smem:$0x3FA9] =	sst s2  }
0xb: {  	[smem:$0x3FAA] =	sst s3  }
0xc: {  	[smem:$0x3FAB] =	sst s4  }
0xd: {  	[smem:$0x3FAC] =	sst s5  }
0xe: {  	[smem:$0x3FAD] =	sst s6  }
0xf: {  	[smem:$0x3FAE] =	sst s7  }
0x10: {  	[smem:$0x3FAF] =	sst s8  }
0x11: {  	[smem:$0x3FB0] =	sst s9;
	s0 =	simm.s32 @!p0 $0x0  }
0x12: {  	s1 =	sld [smem:$0x3F96];
	s0 =	simm.s32 @p0 $0x1  }
0x13: {  	[smem:$0x3FB1] =	sst s0;
	s0 =	simm.s32 @!p1 $0x0  }
0x14: {  	s2 =	sld [smem:$0x3F95];
	s0 =	simm.s32 @p1 $0x1  }
0x15: {  	[smem:$0x3FB2] =	sst s0;
	s0 =	simm.s32 @!p2 $0x0  }
0x16: {  	s3 =	sld [smem:$0x3FDB];
	s0 =	simm.s32 @p2 $0x1  }
0x17: {  	s4 =	simm.s32 $0x1BF5;
	[smem:$0x3FB4] =	sst s0  }
0x18: {  	s0 =	sld [smem:$0x3F97];
	_ =	swait.ge [sflag:s4], $0x0  }
0x19: {  	s7 =	sld [smem:$0x3F98]  }
0x1a: {  	s8 =	sadd.s32 $0xFFFFE003, lr  }
0x1b: {  	s9 =	sadd.s32 $0xFFFFFEF7, lr;
	s5 =	simm.s32 $0xFFFFFFFF;
	p2 =	slt.u32 s8, $0xFFFFF086  }
0x1c: {  	p1 =	slt.u32 s9, $0xF7A;
	s5 =	simm.s32 @!p2 $0x0  }
0x1d: {  	s5 =	simm.s32 @p1 $0x1;
	p0 =	seq.s32 s7, s2  }
0x1e: {  	s7 =	smul.u32 @!p0 $0xF7A, s2;
	p2 =	seq.s32 @!p0 s5, $0x0  }
0x1f: {  	s9 =	smul.u32 $0xF7A, s1;
	s8 =	simm.s32 @!p0 $0x1BF5;
	p2 =	por !p2, p0  }
0x20: {  	[sflag:s8] =	ssyncset.s32 @!p0 $0xFFFFF086;
	s6 =	sadd.s32 @!p0 s3, s7;
	s7 =	simm.s32 @!p0 $0x108  }
0x21: {  	s3 =	sadd.s32 s3, s9;
	s6 =	sadd.s32 @!p0 $0x88, s6;
	s7 =	simm.s32 @p2 $0x1082  }
0x22: {  	[simem:s7], [sflag:s8] =	dma.local @!p0 [hbm:s6], $0xF7A  }
0x23: {  	s9 =	sor.u32 $0xD0000000, s2;
	s6 =	simm.s32 $0x108;
	_ =	swait.ge @!p0 [sflag:s8], $0x0  }
0x24: {  	s3 =	sadd.s32 $0x88, s3;
	s6 =	simm.s32 @!p1 $0x1082;
	[sflag:s4] =	ssyncset.s32 $0xFFFFF086  }
0x25: {  	[simem:s6], [sflag:s4] =	dma.local [hbm:s3], $0xF7A  }
0x26: {  	[smem:$0x3F98] =	sst s1;
	(tag) =	ssettag s2;
	_ =	strace s9  }
0x27: {  	s1 =	sld [smem:$0x3FA8]  }
0x28: {  	s2 =	sld [smem:$0x3FA9]  }
0x29: {  	s4 =	sld [smem:$0x3FAB]  }
0x2a: {  	p0 =	seq.s32 s5, $0x0;
	s5 =	sld [smem:$0x3FAC]  }
0x2b: {  	s6 =	sld [smem:$0x3FAD]  }
0x2c: {  	s7 =	sld [smem:$0x3FAE]  }
0x2d: {  	s3 =	simm.s32 $0x108;
	s8 =	sld [smem:$0x3FAF]  }
0x2e: {  	s3 =	simm.s32 @!p0 $0x1082;
	s9 =	sld [smem:$0x3FB0]  }
0x2f: {  	lr =	sadd.s32 s0, s3;
	s0 =	sld [smem:$0x3FA7]  }
0x30: {  	s3 =	sld [smem:$0x3FAA]  }
0x31: {  	[smem:$0x3FB3] =	sst s10  }
0x32: {  	s10 =	sld [smem:$0x3FB1];
	_ =	sdelay $0x3  }
0x33: {  	p0 =	seq.s32 s10, $0x1;
	s10 =	sld [smem:$0x3FB3];
	_ =	sdelay $0x3  }
0x34: {  	[smem:$0x3FB3] =	sst s10  }
0x35: {  	s10 =	sld [smem:$0x3FB2];
	_ =	sdelay $0x3  }
0x36: {  	p1 =	seq.s32 s10, $0x1;
	s10 =	sld [smem:$0x3FB3];
	_ =	sdelay $0x3  }
0x37: {  	[smem:$0x3FB3] =	sst s10  }
0x38: {  	s10 =	sld [smem:$0x3FB4]  }
0x39: {  	_ = 	snop;
	(pc) =	sbr.ind lr, $3  }
0x3a: {  	_ = 	snop  }
0x3b: {  	_ = 	snop  }
0x3c: {  	p2 =	seq.s32 s10, $0x1;
	s10 =	sld [smem:$0x3FB3]  }
0x3d: {  	_ =	shalt  }
0x3e: {  	_ =	shalt  }
0x3f: {  	_ =	shalt  }
0x40: {  	_ =	shalt  }
0x41: {  	_ =	shalt  }
0x42: {  	_ =	shalt  }
0x43: {  	_ =	shalt  }
0x44: {  	_ =	shalt  }
0x45: {  	_ =	shalt  }
0x46: {  	_ =	shalt  }
0x47: {  	_ =	shalt  }
0x48: {  	_ =	shalt  }
0x49: {  	_ =	shalt  }
0x4a: {  	_ =	shalt  }
0x4b: {  	_ =	shalt  }
0x4c: {  	_ =	shalt  }
0x4d: {  	_ =	shalt  }
0x4e: {  	_ =	shalt  }
0x4f: {  	_ =	shalt  }
0x50: {  	_ =	shalt  }
0x51: {  	_ =	shalt  }
0x52: {  	_ =	shalt  }
0x53: {  	_ =	shalt  }
0x54: {  	_ =	shalt  }
0x55: {  	_ =	shalt  }
0x56: {  	_ =	shalt  }
0x57: {  	_ =	shalt  }
0x58: {  	_ =	shalt  }
0x59: {  	_ =	shalt  }
0x5a: {  	_ =	shalt  }
0x5b: {  	_ =	shalt  }
0x5c: {  	_ =	shalt  }
0x5d: {  	_ =	shalt  }
0x5e: {  	_ =	shalt  }
0x5f: {  	_ =	shalt  }
0x60: {  	_ =	shalt  }
0x61: {  	_ =	shalt  }
0x62: {  	_ =	shalt  }
0x63: {  	_ =	shalt  }
0x64: {  	_ =	shalt  }
0x65: {  	_ =	shalt  }
0x66: {  	_ =	shalt  }
0x67: {  	_ =	shalt  }
0x68: {  	_ =	shalt  }
0x69: {  	_ =	shalt  }
0x6a: {  	_ =	shalt  }
0x6b: {  	_ =	shalt  }
0x6c: {  	_ =	shalt  }
0x6d: {  	_ =	shalt  }
0x6e: {  	_ =	shalt  }
0x6f: {  	_ =	shalt  }
0x70: {  	_ =	shalt  }
0x71: {  	_ =	shalt  }
0x72: {  	_ =	shalt  }
0x73: {  	_ =	shalt  }
0x74: {  	_ =	shalt  }
0x75: {  	_ =	shalt  }
0x76: {  	_ =	shalt  }
0x77: {  	_ =	shalt  }
0x78: {  	_ =	shalt  }
0x79: {  	_ =	shalt  }
0x7a: {  	_ =	shalt  }
0x7b: {  	_ =	shalt  }
0x7c: {  	_ =	shalt  }
0x7d: {  	_ =	shalt  }
0x7e: {  	_ =	shalt  }
0x7f: {  	_ =	shalt  }
0x80: {  	_ =	shalt  }
0x81: {  	_ =	shalt  }
0x82: {  	_ =	shalt  }
0x83: {  	_ =	shalt  }
0x84: {  	_ =	shalt  }
0x85: {  	_ =	shalt  }
0x86: {  	_ =	shalt  }
0x87: {  	_ =	shalt  }
.Lfunc_end0:
.L_simem_size_0:
called_computation.1_lowered:
.L_overlay_start_0:
0x88: {  	s2 =	sld [smem:$0x3FD9]  }
0x89: {  	s3 =	sld [smem:$0x3FFE];
	_ =	sdelay $0x1  }
0x8a: {  	s1 =	srdreg.scid  }
0x8b: {  	s0 =	sand.u32 $0x1, s1  }
0x8c: {  	s16 =	sshll.u32 s0, $0xA;
	s2 =	sadd.s32 s3, s2  }
0x8d: {  	s2 =	sadd.s32 s2, s16  }
0x8e: {  	[smem:$0x3FBF] =	sst s2  }
0x8f: {  	_ = 	snop  }
0x90: {  	(tm) =	ssettm $0x1  }
0x91: {  	s17 =	sld [smem:$0x3FFB];
	_ =	sdelay $0x3  }
0x92: {  	_ =	strace s17  }
0x93: {  	s2 =	sld [smem:$0x3FFC];
	_ =	sdelay $0x3  }
0x94: {  	_ =	strace s2  }
0x95: {  	s2 =	sld [smem:$0x3FFD];
	_ =	sdelay $0x3  }
0x96: {  	_ =	strace s2  }
0x97: {  	_ =	strace $0x8FFFFFFF  }
0x98: {  	s18 =	sld [smem:$0x3FDB];
	_ =	sdelay $0x1  }
0x99: {  	s19 =	simm.s32 $_scs_section_size  }
0x9a: {  	s4 =	simm.s32 $_size__tile_overlayer_lowered;
	s5 =	simm.s32 $_tile_overlayer_lowered  }
0x9b: {  	s22 =	simm.s32 $0x1BFF;
	s21 =	sshll.u32 s5, $0x1;
	s2 =	sadd.s32 s19, s18  }
0x9c: {  	s6 =	simm.s32 $0x0;
	s20 =	sshll.u32 s4, $0x1;
	s4 =	sadd.s32 s21, s2  }
0x9d: {  	[timem:s6], [sflag:s22] =	dma.local [hbm:s4], s20  }
0x9e: {  	_ =	swait.ge [sflag:s22], s20  }
0x9f: {  	s3 =	ssub.s32 $0x0, s20;
	[sflag:s22] =	ssyncset.done $0x0  }
0xa0: {  	[sflag:s22] =	ssyncadd.s32 s3;
	_ =	sdelay $0x1  }
0xa1: {  	s23 =	simm.s32 $0x1B8B  }
0xa2: {  	_ =	swait.ge [sflag:s23], $0x1  }
0xa3: {  	[sflag:s23] =	ssyncset.done $0x0  }
0xa4: {  	s25 =	simm.s32 $0x1B8E;
	s24 =	sld [smem:$0x3FFE];
	[sflag:s23] =	ssyncadd.s32 $0xFFFFFFFF  }
0xa5: {  	s26 =	simm.s32 $execute0_lowered;
	[smem:$0x3FD2] =	sst s25  }
0xa6: {  	s4 =	sshll.u32 s26, $0x1;
	_ =	strace $0x80000049;
	[dreg:$0x1] =	wrdreg $0xFFFFFFFF  }
0xa7: {  	s28 =	simm.s32 $_size_execute0_lowered;
	s2 =	sadd.s32 s2, s4;
	[dreg:$0x0] =	wrdreg $0x0  }
0xa8: {  	s4 =	sshll.u32 s28, $0x1;
	[dreg:$0x2] =	wrdreg s2  }
0xa9: {  	[dreg:$0x3] =	wrdreg s4  }
0xaa: {  	[dreg:$0x4] =	wrdreg $0xC0  }
0xab: {  	_ =	task [dreg:s6], $0x5FFFF  }
0xac: {  	[dreg:$0x1] =	wrdreg $0xFFFFFFFF  }
0xad: {  	[dreg:$0x0] =	wrdreg $0x60  }
0xae: {  	[dreg:$0x2] =	wrdreg s24  }
0xaf: {  	[dreg:$0x3] =	wrdreg $0x9  }
0xb0: {  	_ =	task.clear_ibuf [dreg:s6], $0x4FFFF;
	_ =	strace $0x90000049  }
0xb1: {  	s29 =	simm.s32 $0x9;
	_ =	strace $0x8000004B  }
0xb2: {  	_ =	swait.ge [sflag:s29], $0x1  }
0xb3: {  	[sflag:s29] =	ssyncadd.s32 $0xFFFFFFFF  }
0xb4: {  	_ =	strace $0x9000004B  }
0xb5: {  	_ =	sfence  }
0xb6: {  	s30 =	sld [smem:$0x0];
	_ =	sdelay $0x2  }
0xb7: {  	s31 =	sshll.u32 s1, $0xD;
	s1 =	sshrl.u32 s1, $0x2  }
0xb8: {  	s3 =	sand.u32 $0x4000, s31;
	s1 =	sadd.s32 s1, s30  }
0xb9: {  	s0 =	sor.u32 s3, s0;
	s1 =	sshll.u32 s1, $0x11  }
0xba: {  	s0 =	sor.u32 s1, s0  }
0xbb: {  	s0 =	sadd.s32 $0x8F2B, s0  }
0xbc: {  	[sflag:s0] =	ssyncadd.remote.s32 $0x1  }
0xbd: {  	_ =	sfence.sel $0xFFFF  }
0xbe: {  	[dreg:$0x0] =	wrdreg $0xFFFFFFFF;
	(pc) =	sbr.abs _section_cstart, $3  }
0xbf: {  	[dreg:$0x1] =	wrdreg $0xFFFFFFFF  }
0xc0: {  	_ =	task.clear_ibuf [dreg:s6], $0x2FFFF;
	_ =	strace $0x9FFFFFFF  }
0xc1: {  	(tm) =	ssettm $0x7FFFFFFF  }
tec
execute0_lowered:
.L_overlay_start_1:
0x0: {  	(tag) =	ssettag $0x1  }
0x1: {  	s0 =	rddreg [dreg:$0x0]  }
0x2: {  	s1 =	srdreg.scid;
	s3 =	stileid.u32;
	s2 =	simm.s32 $0x0  }
0x3: {  	s18 =	simm.s32 $0x1;
	s20 =	simm.s32 $0x880;
	s21 =	simm.s32 $0x1080  }
0x4: {  	s22 =	simm.s32 $0x1880;
	s23 =	simm.s32 $0x2080;
	s28 =	simm.s32 $0x4080  }
0x5: {  	s29 =	simm.s32 $0x4880;
	s30 =	simm.s32 $0x5080;
	s31 =	simm.s32 $0x5880  }
0x6: {  	s10 =	simm.s32 $0x7080;
	s11 =	simm.s32 $0x7880;
	s12 =	simm.s32 $0x8080  }
0x7: {  	s13 =	simm.s32 $0x8880;
	s14 =	simm.s32 $0x9080;
	s15 =	simm.s32 $0x9880  }
0x8: {  	s16 =	simm.s32 $0xA080;
	s17 =	simm.s32 $0xA880;
	s1 =	sand.u32 $0x1, s1  }
0x9: {  	s3 =	sshll.u32 s3, $0x8;
	[smem:$0x7FF] =	sst s2;
	s6 =	sadd.s32 $0x180A00, s0  }
0xa: {  	s4 =	sshll.u32 s1, $0x7;
	s1 =	ssub.s32 $0x2, s1;
	_ =	strace $0x8000004A  }
0xb: {  	s5 =	sor.u32 s4, s3;
	s24 =	sshrl.u32 s1, $0x1;
	s4 =	sadd.s32 $0x180D00, s0  }
0xc: {  	s3 =	sshrl.u32 s5, $0x3;
	s1 =	ssub.s32 s1, s24;
	s25 =	sshll.u32 s5, $0x7  }
0xd: {  	s8 =	sor.u32 $0x40, s5;
	s5 =	sadd.s32 $0x180E00, s0;
	s24 =	simm.s32 $0x2880  }
0xe: {  	s7 =	sadd.s32 s6, s3;
	s3 =	sadd.s32 $0x180C00, s0;
	s9 =	sshrl.u32 s8, $0x3  }
0xf: {  	s8 =	sshll.u32 s8, $0x7;
	[dreg:$0x2] =	wrdreg s7;
	s7 =	sadd.s32 s0, s25  }
0x10: {  	s26 =	sadd.s32 s6, s9;
	s6 =	sadd.s32 $0x180F00, s0;
	[dreg:$0x3] =	wrdreg s7  }
0x11: {  	v2 =	vlaneseq.u32;
	s0 =	sadd.s32 s0, s8;
	s8 =	simm.s32 $0x2;
	[dreg:$0x4] =	wrdreg s26  }
0x12: {  	vm0 =	vmmov $0xffff;
	v1 =	vshrl.u32 v2, $0x3;
	s25 =	simm.s32 $0x3080;
	s9 =	simm.s32 $0xB080;
	[dreg:$0x5] =	wrdreg s0  }
0x13: {  	v0 =	vand.u32 $0x7, v2;
	v2 =	vor.u32 $0x8, v2;
	v1 =	vmul.u32 $0x8, v1;
	s7 =	smax.u32 s1, $0x1;
	s0 =	simm.s32 $0x80;
	s26 =	simm.s32 $0x3880  }
.LBB2_1:
0x14: {  	s19 =	rddreg [dreg:$0x2]  }
0x15: {  	[tilespmem:s2], [sflag:$0x2] =	stream.linear.gather [hbm4b:s19+s2], $0x40, $0x38;
	[tilespmem:$0x10080] =	vst v63  }
0x16: {  	_ =	swait.ge [sflag:s8], $0x40  }
0x17: {  	[sflag:s8] =	ssyncset.done $0x0  }
0x18: {  	[sflag:s8] =	ssyncadd.s32 $0xFFFFFFC0  }
0x19: {  	v3 =	vld [tilespmem:$0x0];
	_ =	sdelay $0x4  }
0x1a: {  	v4 =	vshll.u32 v3, $0x3  }
0x1b: {  	v3 =	vand.u32 $0x7, v3;
	v4 =	vand.u32 $0xFFFFFFC0, v4  }
0x1c: {  	v3 =	vor.u32 v3, v4  }
0x1d: {  	v4 =	vperm.xlane v3, v0;
	_ =	sdelay $0x1  }
0x1e: {  	v4 =	vadd.s32 v1, v4;
	_ =	sdelay $0x4  }
0x1f: {  	[tilespmem:s0], [sflag:$0x1] =	stream.indirect_vreg.gather [hbm4b:s3+s2], $0x80, v4, vm0, $0xb8;
	[tilespmem:$0x10080] =	vst v63  }
0x20: {  	v3 =	vperm.xlane v3, v2  }
0x21: {  	[tilespmem:s20], [sflag:$0x1] =	stream.indirect_vreg.gather [hbm4b:s4+s2], $0x80, v4, vm0, $0xb8;
	[tilespmem:$0x10080] =	vst v63  }
0x22: {  	v3 =	vadd.s32 v1, v3  }
0x23: {  	[tilespmem:s21], [sflag:$0x1] =	stream.indirect_vreg.gather [hbm4b:s5+s2], $0x80, v4, vm0, $0xb8;
	[tilespmem:$0x10080] =	vst v63  }
0x24: {  	_ = 	snop  }
0x25: {  	[tilespmem:s22], [sflag:$0x1] =	stream.indirect_vreg.gather [hbm4b:s6+s2], $0x80, v4, vm0, $0xb8;
	[tilespmem:$0x10080] =	vst v63  }
0x26: {  	_ = 	snop  }
0x27: {  	[tilespmem:s23], [sflag:$0x1] =	stream.indirect_vreg.gather [hbm4b:s3+s2], $0x80, v3, vm0, $0xb8;
	[tilespmem:$0x10080] =	vst v63  }
0x28: {  	_ = 	snop  }
0x29: {  	[tilespmem:s24], [sflag:$0x1] =	stream.indirect_vreg.gather [hbm4b:s4+s2], $0x80, v3, vm0, $0xb8;
	[tilespmem:$0x10080] =	vst v63  }
0x2a: {  	_ = 	snop  }
0x2b: {  	[tilespmem:s25], [sflag:$0x1] =	stream.indirect_vreg.gather [hbm4b:s5+s2], $0x80, v3, vm0, $0xb8;
	[tilespmem:$0x10080] =	vst v63  }
0x2c: {  	_ = 	snop  }
0x2d: {  	[tilespmem:s26], [sflag:$0x1] =	stream.indirect_vreg.gather [hbm4b:s6+s2], $0x80, v3, vm0, $0xb8;
	[tilespmem:$0x10080] =	vst v63  }
0x2e: {  	v3 =	vld [tilespmem:$0x10];
	_ =	sdelay $0x4  }
0x2f: {  	v57 =	vshll.u32 v3, $0x3  }
0x30: {  	v3 =	vand.u32 $0x7, v3;
	v4 =	vand.u32 $0xFFFFFFC0, v57  }
0x31: {  	v3 =	vor.u32 v3, v4  }
0x32: {  	v4 =	vperm.xlane v3, v0;
	_ =	sdelay $0x1  }
0x33: {  	v4 =	vadd.s32 v1, v4;
	_ =	sdelay $0x4  }
0x34: {  	[tilespmem:s28], [sflag:$0x1] =	stream.indirect_vreg.gather [hbm4b:s3+s2], $0x80, v4, vm0, $0xb8;
	[tilespmem:$0x10080] =	vst v63  }
0x35: {  	v3 =	vperm.xlane v3, v2  }
0x36: {  	[tilespmem:s29], [sflag:$0x1] =	stream.indirect_vreg.gather [hbm4b:s4+s2], $0x80, v4, vm0, $0xb8;
	[tilespmem:$0x10080] =	vst v63  }
0x37: {  	v3 =	vadd.s32 v1, v3  }
0x38: {  	[tilespmem:s30], [sflag:$0x1] =	stream.indirect_vreg.gather [hbm4b:s5+s2], $0x80, v4, vm0, $0xb8;
	[tilespmem:$0x10080] =	vst v63  }
0x39: {  	_ = 	snop  }
0x3a: {  	[tilespmem:s31], [sflag:$0x1] =	stream.indirect_vreg.gather [hbm4b:s6+s2], $0x80, v4, vm0, $0xb8;
	[tilespmem:$0x10080] =	vst v63  }
0x3b: {  	s1 =	simm.s32 $0x6080  }
0x3c: {  	[tilespmem:s1], [sflag:$0x1] =	stream.indirect_vreg.gather [hbm4b:s3+s2], $0x80, v3, vm0, $0xb8;
	[tilespmem:$0x10080] =	vst v63  }
0x3d: {  	s1 =	simm.s32 $0x6880  }
0x3e: {  	[tilespmem:s1], [sflag:$0x1] =	stream.indirect_vreg.gather [hbm4b:s4+s2], $0x80, v3, vm0, $0xb8;
	[tilespmem:$0x10080] =	vst v63  }
0x3f: {  	_ = 	snop  }
0x40: {  	[tilespmem:s10], [sflag:$0x1] =	stream.indirect_vreg.gather [hbm4b:s5+s2], $0x80, v3, vm0, $0xb8;
	[tilespmem:$0x10080] =	vst v63  }
0x41: {  	_ = 	snop  }
0x42: {  	[tilespmem:s11], [sflag:$0x1] =	stream.indirect_vreg.gather [hbm4b:s6+s2], $0x80, v3, vm0, $0xb8;
	[tilespmem:$0x10080] =	vst v63  }
0x43: {  	v3 =	vld [tilespmem:$0x20];
	_ =	sdelay $0x4  }
0x44: {  	v58 =	vshll.u32 v3, $0x3  }
0x45: {  	v3 =	vand.u32 $0x7, v3;
	v4 =	vand.u32 $0xFFFFFFC0, v58  }
0x46: {  	v3 =	vor.u32 v3, v4  }
0x47: {  	v4 =	vperm.xlane v3, v0;
	_ =	sdelay $0x1  }
0x48: {  	v4 =	vadd.s32 v1, v4;
	_ =	sdelay $0x4  }
0x49: {  	[tilespmem:s12], [sflag:$0x1] =	stream.indirect_vreg.gather [hbm4b:s3+s2], $0x80, v4, vm0, $0xb8;
	[tilespmem:$0x10080] =	vst v63  }
0x4a: {  	v3 =	vperm.xlane v3, v2  }
0x4b: {  	[tilespmem:s13], [sflag:$0x1] =	stream.indirect_vreg.gather [hbm4b:s4+s2], $0x80, v4, vm0, $0xb8;
	[tilespmem:$0x10080] =	vst v63  }
0x4c: {  	v3 =	vadd.s32 v1, v3  }
0x4d: {  	[tilespmem:s14], [sflag:$0x1] =	stream.indirect_vreg.gather [hbm4b:s5+s2], $0x80, v4, vm0, $0xb8;
	[tilespmem:$0x10080] =	vst v63  }
0x4e: {  	_ = 	snop  }
0x4f: {  	[tilespmem:s15], [sflag:$0x1] =	stream.indirect_vreg.gather [hbm4b:s6+s2], $0x80, v4, vm0, $0xb8;
	[tilespmem:$0x10080] =	vst v63  }
0x50: {  	_ = 	snop  }
0x51: {  	[tilespmem:s16], [sflag:$0x1] =	stream.indirect_vreg.gather [hbm4b:s3+s2], $0x80, v3, vm0, $0xb8;
	[tilespmem:$0x10080] =	vst v63  }
0x52: {  	_ = 	snop  }
0x53: {  	[tilespmem:s17], [sflag:$0x1] =	stream.indirect_vreg.gather [hbm4b:s4+s2], $0x80, v3, vm0, $0xb8;
	[tilespmem:$0x10080] =	vst v63  }
0x54: {  	_ = 	snop  }
0x55: {  	[tilespmem:s9], [sflag:$0x1] =	stream.indirect_vreg.gather [hbm4b:s5+s2], $0x80, v3, vm0, $0xb8;
	[tilespmem:$0x10080] =	vst v63  }
0x56: {  	s19 =	simm.s32 $0xB880  }
0x57: {  	[tilespmem:s19], [sflag:$0x1] =	stream.indirect_vreg.gather [hbm4b:s6+s2], $0x80, v3, vm0, $0xb8;
	[tilespmem:$0x10080] =	vst v63  }
0x58: {  	v3 =	vld [tilespmem:$0x30];
	_ =	sdelay $0x4  }
0x59: {  	v59 =	vshll.u32 v3, $0x3  }
0x5a: {  	v3 =	vand.u32 $0x7, v3;
	v4 =	vand.u32 $0xFFFFFFC0, v59  }
0x5b: {  	v3 =	vor.u32 v3, v4  }
0x5c: {  	v4 =	vperm.xlane v3, v0;
	_ =	sdelay $0x1  }
0x5d: {  	v4 =	vadd.s32 v1, v4;
	_ =	sdelay $0x3  }
0x5e: {  	s19 =	simm.s32 $0xC080  }
0x5f: {  	[tilespmem:s19], [sflag:$0x1] =	stream.indirect_vreg.gather [hbm4b:s3+s2], $0x80, v4, vm0, $0xb8;
	[tilespmem:$0x10080] =	vst v63  }
0x60: {  	v3 =	vperm.xlane v3, v2;
	s19 =	simm.s32 $0xC880  }
0x61: {  	[tilespmem:s19], [sflag:$0x1] =	stream.indirect_vreg.gather [hbm4b:s4+s2], $0x80, v4, vm0, $0xb8;
	[tilespmem:$0x10080] =	vst v63  }
0x62: {  	v3 =	vadd.s32 v1, v3;
	s19 =	simm.s32 $0xD080  }
0x63: {  	[tilespmem:s19], [sflag:$0x1] =	stream.indirect_vreg.gather [hbm4b:s5+s2], $0x80, v4, vm0, $0xb8;
	[tilespmem:$0x10080] =	vst v63  }
0x64: {  	s19 =	simm.s32 $0xD880  }
0x65: {  	[tilespmem:s19], [sflag:$0x1] =	stream.indirect_vreg.gather [hbm4b:s6+s2], $0x80, v4, vm0, $0xb8;
	[tilespmem:$0x10080] =	vst v63  }
0x66: {  	s19 =	simm.s32 $0xE080  }
0x67: {  	[tilespmem:s19], [sflag:$0x1] =	stream.indirect_vreg.gather [hbm4b:s3+s2], $0x80, v3, vm0, $0xb8;
	[tilespmem:$0x10080] =	vst v63  }
0x68: {  	s19 =	simm.s32 $0xE880  }
0x69: {  	[tilespmem:s19], [sflag:$0x1] =	stream.indirect_vreg.gather [hbm4b:s4+s2], $0x80, v3, vm0, $0xb8;
	[tilespmem:$0x10080] =	vst v63  }
0x6a: {  	s19 =	simm.s32 $0xF080  }
0x6b: {  	[tilespmem:s19], [sflag:$0x1] =	stream.indirect_vreg.gather [hbm4b:s5+s2], $0x80, v3, vm0, $0xb8;
	[tilespmem:$0x10080] =	vst v63  }
0x6c: {  	s19 =	simm.s32 $0xF880  }
0x6d: {  	[tilespmem:s19], [sflag:$0x1] =	stream.indirect_vreg.gather [hbm4b:s6+s2], $0x80, v3, vm0, $0xb8;
	[tilespmem:$0x10080] =	vst v63  }
0x6e: {  	_ =	swait.ge [sflag:s18], $0x10000  }
0x6f: {  	[sflag:s18] =	ssyncset.done $0x0  }
0x70: {  	s19 =	rddreg [dreg:$0x3];
	[sflag:s18] =	ssyncadd.s32 $0xFFFF0000  }
0x71: {  	[hbm4b:s19+s2] =	stream.linear.scatter [tilespmem:s0], [sflag:$0x2], $0x10000, $0x38;
	[tilespmem:$0x10080] =	vst v63  }
0x72: {  	_ =	swait.ge [sflag:s8], $0x10000  }
0x73: {  	[sflag:s8] =	ssyncset.done $0x0  }
0x74: {  	s19 =	rddreg [dreg:$0x4];
	[sflag:s8] =	ssyncadd.s32 $0xFFFF0000  }
0x75: {  	[tilespmem:s2], [sflag:$0x2] =	stream.linear.gather [hbm4b:s19+s2], $0x40, $0x38;
	[tilespmem:$0x10080] =	vst v63  }
0x76: {  	_ =	swait.ge [sflag:s8], $0x40  }
0x77: {  	[sflag:s8] =	ssyncset.done $0x0  }
0x78: {  	[sflag:s8] =	ssyncadd.s32 $0xFFFFFFC0  }
0x79: {  	v3 =	vld [tilespmem:$0x0];
	_ =	sdelay $0x4  }
0x7a: {  	v60 =	vshll.u32 v3, $0x3  }
0x7b: {  	v3 =	vand.u32 $0x7, v3;
	v4 =	vand.u32 $0xFFFFFFC0, v60  }
0x7c: {  	v3 =	vor.u32 v3, v4  }
0x7d: {  	v4 =	vperm.xlane v3, v0;
	_ =	sdelay $0x1  }
0x7e: {  	v4 =	vadd.s32 v1, v4;
	_ =	sdelay $0x4  }
0x7f: {  	[tilespmem:s0], [sflag:$0x1] =	stream.indirect_vreg.gather [hbm4b:s3+s2], $0x80, v4, vm0, $0xb8;
	[tilespmem:$0x10080] =	vst v63  }
0x80: {  	v3 =	vperm.xlane v3, v2  }
0x81: {  	[tilespmem:s20], [sflag:$0x1] =	stream.indirect_vreg.gather [hbm4b:s4+s2], $0x80, v4, vm0, $0xb8;
	[tilespmem:$0x10080] =	vst v63  }
0x82: {  	v3 =	vadd.s32 v1, v3  }
0x83: {  	[tilespmem:s21], [sflag:$0x1] =	stream.indirect_vreg.gather [hbm4b:s5+s2], $0x80, v4, vm0, $0xb8;
	[tilespmem:$0x10080] =	vst v63  }
0x84: {  	_ = 	snop  }
0x85: {  	[tilespmem:s22], [sflag:$0x1] =	stream.indirect_vreg.gather [hbm4b:s6+s2], $0x80, v4, vm0, $0xb8;
	[tilespmem:$0x10080] =	vst v63  }
0x86: {  	_ = 	snop  }
0x87: {  	[tilespmem:s23], [sflag:$0x1] =	stream.indirect_vreg.gather [hbm4b:s3+s2], $0x80, v3, vm0, $0xb8;
	[tilespmem:$0x10080] =	vst v63  }
0x88: {  	_ = 	snop  }
0x89: {  	[tilespmem:s24], [sflag:$0x1] =	stream.indirect_vreg.gather [hbm4b:s4+s2], $0x80, v3, vm0, $0xb8;
	[tilespmem:$0x10080] =	vst v63  }
0x8a: {  	_ = 	snop  }
0x8b: {  	[tilespmem:s25], [sflag:$0x1] =	stream.indirect_vreg.gather [hbm4b:s5+s2], $0x80, v3, vm0, $0xb8;
	[tilespmem:$0x10080] =	vst v63  }
0x8c: {  	_ = 	snop  }
0x8d: {  	[tilespmem:s26], [sflag:$0x1] =	stream.indirect_vreg.gather [hbm4b:s6+s2], $0x80, v3, vm0, $0xb8;
	[tilespmem:$0x10080] =	vst v63  }
0x8e: {  	v3 =	vld [tilespmem:$0x10];
	_ =	sdelay $0x4  }
0x8f: {  	v61 =	vshll.u32 v3, $0x3  }
0x90: {  	v3 =	vand.u32 $0x7, v3;
	v4 =	vand.u32 $0xFFFFFFC0, v61  }
0x91: {  	v3 =	vor.u32 v3, v4  }
0x92: {  	v4 =	vperm.xlane v3, v0;
	_ =	sdelay $0x1  }
0x93: {  	v4 =	vadd.s32 v1, v4;
	_ =	sdelay $0x4  }
0x94: {  	[tilespmem:s28], [sflag:$0x1] =	stream.indirect_vreg.gather [hbm4b:s3+s2], $0x80, v4, vm0, $0xb8;
	[tilespmem:$0x10080] =	vst v63  }
0x95: {  	v3 =	vperm.xlane v3, v2  }
0x96: {  	[tilespmem:s29], [sflag:$0x1] =	stream.indirect_vreg.gather [hbm4b:s4+s2], $0x80, v4, vm0, $0xb8;
	[tilespmem:$0x10080] =	vst v63  }
0x97: {  	v3 =	vadd.s32 v1, v3  }
0x98: {  	[tilespmem:s30], [sflag:$0x1] =	stream.indirect_vreg.gather [hbm4b:s5+s2], $0x80, v4, vm0, $0xb8;
	[tilespmem:$0x10080] =	vst v63  }
0x99: {  	_ = 	snop  }
0x9a: {  	[tilespmem:s31], [sflag:$0x1] =	stream.indirect_vreg.gather [hbm4b:s6+s2], $0x80, v4, vm0, $0xb8;
	[tilespmem:$0x10080] =	vst v63  }
0x9b: {  	s19 =	simm.s32 $0x6080  }
0x9c: {  	[tilespmem:s19], [sflag:$0x1] =	stream.indirect_vreg.gather [hbm4b:s3+s2], $0x80, v3, vm0, $0xb8;
	[tilespmem:$0x10080] =	vst v63  }
0x9d: {  	_ = 	snop  }
0x9e: {  	[tilespmem:s1], [sflag:$0x1] =	stream.indirect_vreg.gather [hbm4b:s4+s2], $0x80, v3, vm0, $0xb8;
	[tilespmem:$0x10080] =	vst v63  }
0x9f: {  	_ = 	snop  }
0xa0: {  	[tilespmem:s10], [sflag:$0x1] =	stream.indirect_vreg.gather [hbm4b:s5+s2], $0x80, v3, vm0, $0xb8;
	[tilespmem:$0x10080] =	vst v63  }
0xa1: {  	_ = 	snop  }
0xa2: {  	[tilespmem:s11], [sflag:$0x1] =	stream.indirect_vreg.gather [hbm4b:s6+s2], $0x80, v3, vm0, $0xb8;
	[tilespmem:$0x10080] =	vst v63  }
0xa3: {  	v3 =	vld [tilespmem:$0x20];
	_ =	sdelay $0x4  }
0xa4: {  	v62 =	vshll.u32 v3, $0x3  }
0xa5: {  	v3 =	vand.u32 $0x7, v3;
	v4 =	vand.u32 $0xFFFFFFC0, v62  }
0xa6: {  	v3 =	vor.u32 v3, v4  }
0xa7: {  	v4 =	vperm.xlane v3, v0;
	_ =	sdelay $0x1  }
0xa8: {  	v4 =	vadd.s32 v1, v4;
	_ =	sdelay $0x4  }
0xa9: {  	[tilespmem:s12], [sflag:$0x1] =	stream.indirect_vreg.gather [hbm4b:s3+s2], $0x80, v4, vm0, $0xb8;
	[tilespmem:$0x10080] =	vst v63  }
0xaa: {  	v3 =	vperm.xlane v3, v2  }
0xab: {  	[tilespmem:s13], [sflag:$0x1] =	stream.indirect_vreg.gather [hbm4b:s4+s2], $0x80, v4, vm0, $0xb8;
	[tilespmem:$0x10080] =	vst v63  }
0xac: {  	v3 =	vadd.s32 v1, v3  }
0xad: {  	[tilespmem:s14], [sflag:$0x1] =	stream.indirect_vreg.gather [hbm4b:s5+s2], $0x80, v4, vm0, $0xb8;
	[tilespmem:$0x10080] =	vst v63  }
0xae: {  	_ = 	snop  }
0xaf: {  	[tilespmem:s15], [sflag:$0x1] =	stream.indirect_vreg.gather [hbm4b:s6+s2], $0x80, v4, vm0, $0xb8;
	[tilespmem:$0x10080] =	vst v63  }
0xb0: {  	_ = 	snop  }
0xb1: {  	[tilespmem:s16], [sflag:$0x1] =	stream.indirect_vreg.gather [hbm4b:s3+s2], $0x80, v3, vm0, $0xb8;
	[tilespmem:$0x10080] =	vst v63  }
0xb2: {  	_ = 	snop  }
0xb3: {  	[tilespmem:s17], [sflag:$0x1] =	stream.indirect_vreg.gather [hbm4b:s4+s2], $0x80, v3, vm0, $0xb8;
	[tilespmem:$0x10080] =	vst v63  }
0xb4: {  	_ = 	snop  }
0xb5: {  	[tilespmem:s9], [sflag:$0x1] =	stream.indirect_vreg.gather [hbm4b:s5+s2], $0x80, v3, vm0, $0xb8;
	[tilespmem:$0x10080] =	vst v63  }
0xb6: {  	s19 =	simm.s32 $0xB880  }
0xb7: {  	[tilespmem:s19], [sflag:$0x1] =	stream.indirect_vreg.gather [hbm4b:s6+s2], $0x80, v3, vm0, $0xb8;
	[tilespmem:$0x10080] =	vst v63  }
0xb8: {  	v3 =	vld [tilespmem:$0x30];
	_ =	sdelay $0x4  }
0xb9: {  	v63 =	vshll.u32 v3, $0x3  }
0xba: {  	v3 =	vand.u32 $0x7, v3;
	v4 =	vand.u32 $0xFFFFFFC0, v63  }
0xbb: {  	v3 =	vor.u32 v3, v4  }
0xbc: {  	v4 =	vperm.xlane v3, v0;
	_ =	sdelay $0x1  }
0xbd: {  	v4 =	vadd.s32 v1, v4;
	_ =	sdelay $0x3  }
0xbe: {  	s19 =	simm.s32 $0xC080  }
0xbf: {  	[tilespmem:s19], [sflag:$0x1] =	stream.indirect_vreg.gather [hbm4b:s3+s2], $0x80, v4, vm0, $0xb8;
	[tilespmem:$0x10080] =	vst v63  }
0xc0: {  	v3 =	vperm.xlane v3, v2;
	s19 =	simm.s32 $0xC880  }
0xc1: {  	[tilespmem:s19], [sflag:$0x1] =	stream.indirect_vreg.gather [hbm4b:s4+s2], $0x80, v4, vm0, $0xb8;
	[tilespmem:$0x10080] =	vst v63  }
0xc2: {  	v3 =	vadd.s32 v1, v3;
	s19 =	simm.s32 $0xD080  }
0xc3: {  	[tilespmem:s19], [sflag:$0x1] =	stream.indirect_vreg.gather [hbm4b:s5+s2], $0x80, v4, vm0, $0xb8;
	[tilespmem:$0x10080] =	vst v63  }
0xc4: {  	s19 =	simm.s32 $0xD880  }
0xc5: {  	[tilespmem:s19], [sflag:$0x1] =	stream.indirect_vreg.gather [hbm4b:s6+s2], $0x80, v4, vm0, $0xb8;
	[tilespmem:$0x10080] =	vst v63  }
0xc6: {  	s19 =	simm.s32 $0xE080  }
0xc7: {  	[tilespmem:s19], [sflag:$0x1] =	stream.indirect_vreg.gather [hbm4b:s3+s2], $0x80, v3, vm0, $0xb8;
	[tilespmem:$0x10080] =	vst v63  }
0xc8: {  	s19 =	simm.s32 $0xE880  }
0xc9: {  	[tilespmem:s19], [sflag:$0x1] =	stream.indirect_vreg.gather [hbm4b:s4+s2], $0x80, v3, vm0, $0xb8;
	[tilespmem:$0x10080] =	vst v63  }
0xca: {  	s19 =	simm.s32 $0xF080  }
0xcb: {  	[tilespmem:s19], [sflag:$0x1] =	stream.indirect_vreg.gather [hbm4b:s5+s2], $0x80, v3, vm0, $0xb8;
	[tilespmem:$0x10080] =	vst v63  }
0xcc: {  	s19 =	simm.s32 $0xF880  }
0xcd: {  	[tilespmem:s19], [sflag:$0x1] =	stream.indirect_vreg.gather [hbm4b:s6+s2], $0x80, v3, vm0, $0xb8;
	[tilespmem:$0x10080] =	vst v63  }
0xce: {  	_ =	swait.ge [sflag:s18], $0x10000  }
0xcf: {  	p0 =	sne.s32 s7, $0x1;
	[sflag:s18] =	ssyncset.done $0x0  }
.Ltmp0:
0xd0: {  	s1 =	rddreg [dreg:$0x5];
	[sflag:s18] =	ssyncadd.s32 $0xFFFF0000;
	(pc) =	sbr.rel @p0 .LBB2_1-.Ltmp0, $4  }
0xd1: {  	[hbm4b:s1+s2] =	stream.linear.scatter [tilespmem:s0], [sflag:$0x2], $0x10000, $0x38;
	[tilespmem:$0x10080] =	vst v63  }
0xd2: {  	_ =	swait.ge [sflag:s8], $0x10000  }
0xd3: {  	[sflag:s8] =	ssyncset.done $0x0  }
0xd4: {  	s7 =	sadd.s32 $0xFFFFFFFF, s7;
	[sflag:s8] =	ssyncadd.s32 $0xFFFF0000  }
0xd5: {  	_ =	sfence.sel $0x180000  }
0xd6: {  	[bflag:$0x0] =	sbarrier.arrive $0xFFFF  }
0xd7: {  	_ =	strace $0x9000004A  }
0xd8: {  	s0 =	stileid.u32;
	[bflag:$0x2] =	sbarrier.arrive $0xFFFF  }
0xd9: {  	p0 =	sne.s32 s0, $0x0;
	s0 =	rddreg [dreg:$0x1]  }
0xda: {  	s0 =	sadd.s32 @!p0 $0x100000, s0  }
0xdb: {  	[sflag:s0] =	ssyncadd.tile.s32 @!p0 $0x1;
	_ =	shalt  }
.Lfunc_end2:
_tile_overlayer_lowered:
.L_overlay_start_2:
0xdc: {  	(tag) =	ssettag $0x2  }
0xdd: {  	s0 =	rddreg [dreg:$0x0];
	s2 =	stileid.u32  }
0xde: {  	s1 =	rddreg [dreg:$0x1];
	p0 =	sne.s32 s2, $0x0  }
0xdf: {  	s3 =	rddreg [dreg:$0x2];
	[bflag:$0x3] =	sbarrier.arrive $0xFFFF;
	s2 =	simm.s32 @!p0 $0x1C02  }
0xe0: {  	[timem:s3], [sflag:s2] =	dma.local @!p0 [hbm:s0], s1  }
0xe1: {  	s0 =	simm.s32 @!p0 $0x2  }
0xe2: {  	_ =	swait.ge @!p0 [sflag:s0], s1  }
0xe3: {  	s1 =	ssub.s32 @!p0 $0x0, s1;
	[sflag:s0] =	ssyncset.done @!p0 $0x0  }
0xe4: {  	[sflag:s0] =	ssyncadd.s32 @!p0 s1  }
0xe5: {  	[bflag:$0x3] =	sbarrier.arrive $0xFFFF  }
0xe6: {  	_ =	shalt  }

// kernel: kernel.8.cloned.1.call-start
scs
__scs_entry_jumppad:
0x0: {  	(pc) =	sbr.rel $0x88, $3  }
0x1: {  	(tag) =	ssettag $0x0;
	lr =	simm.s32 $0x1  }
0x2: {  	[smem:$0x3F98] =	sst lr;
	_ =	strace $0xD0000000  }
0x3: {  	_ = 	snop  }
0x4: {  	_ = 	snop  }
0x5: {  	_ = 	snop  }
0x6: {  	_ = 	snop  }
0x7: {  	_ = 	snop  }
__scs_overlays_trampoline_lowered:
0x8: {  	[smem:$0x3FA7] =	sst s0  }
0x9: {  	[smem:$0x3FA8] =	sst s1  }
0xa: {  	[smem:$0x3FA9] =	sst s2  }
0xb: {  	[smem:$0x3FAA] =	sst s3  }
0xc: {  	[smem:$0x3FAB] =	sst s4  }
0xd: {  	[smem:$0x3FAC] =	sst s5  }
0xe: {  	[smem:$0x3FAD] =	sst s6  }
0xf: {  	[smem:$0x3FAE] =	sst s7  }
0x10: {  	[smem:$0x3FAF] =	sst s8  }
0x11: {  	[smem:$0x3FB0] =	sst s9;
	s0 =	simm.s32 @!p0 $0x0  }
0x12: {  	s1 =	sld [smem:$0x3F96];
	s0 =	simm.s32 @p0 $0x1  }
0x13: {  	[smem:$0x3FB1] =	sst s0;
	s0 =	simm.s32 @!p1 $0x0  }
0x14: {  	s2 =	sld [smem:$0x3F95];
	s0 =	simm.s32 @p1 $0x1  }
0x15: {  	[smem:$0x3FB2] =	sst s0;
	s0 =	simm.s32 @!p2 $0x0  }
0x16: {  	s3 =	sld [smem:$0x3FDB];
	s0 =	simm.s32 @p2 $0x1  }
0x17: {  	s4 =	simm.s32 $0x1BF5;
	[smem:$0x3FB4] =	sst s0  }
0x18: {  	s0 =	sld [smem:$0x3F97];
	_ =	swait.ge [sflag:s4], $0x0  }
0x19: {  	s7 =	sld [smem:$0x3F98]  }
0x1a: {  	s8 =	sadd.s32 $0xFFFFE003, lr  }
0x1b: {  	s9 =	sadd.s32 $0xFFFFFEF7, lr;
	s5 =	simm.s32 $0xFFFFFFFF;
	p2 =	slt.u32 s8, $0xFFFFF086  }
0x1c: {  	p1 =	slt.u32 s9, $0xF7A;
	s5 =	simm.s32 @!p2 $0x0  }
0x1d: {  	s5 =	simm.s32 @p1 $0x1;
	p0 =	seq.s32 s7, s2  }
0x1e: {  	s7 =	smul.u32 @!p0 $0xF7A, s2;
	p2 =	seq.s32 @!p0 s5, $0x0  }
0x1f: {  	s9 =	smul.u32 $0xF7A, s1;
	s8 =	simm.s32 @!p0 $0x1BF5;
	p2 =	por !p2, p0  }
0x20: {  	[sflag:s8] =	ssyncset.s32 @!p0 $0xFFFFF086;
	s6 =	sadd.s32 @!p0 s3, s7;
	s7 =	simm.s32 @!p0 $0x108  }
0x21: {  	s3 =	sadd.s32 s3, s9;
	s6 =	sadd.s32 @!p0 $0x88, s6;
	s7 =	simm.s32 @p2 $0x1082  }
0x22: {  	[simem:s7], [sflag:s8] =	dma.local @!p0 [hbm:s6], $0xF7A  }
0x23: {  	s9 =	sor.u32 $0xD0000000, s2;
	s6 =	simm.s32 $0x108;
	_ =	swait.ge @!p0 [sflag:s8], $0x0  }
0x24: {  	s3 =	sadd.s32 $0x88, s3;
	s6 =	simm.s32 @!p1 $0x1082;
	[sflag:s4] =	ssyncset.s32 $0xFFFFF086  }
0x25: {  	[simem:s6], [sflag:s4] =	dma.local [hbm:s3], $0xF7A  }
0x26: {  	[smem:$0x3F98] =	sst s1;
	(tag) =	ssettag s2;
	_ =	strace s9  }
0x27: {  	s1 =	sld [smem:$0x3FA8]  }
0x28: {  	s2 =	sld [smem:$0x3FA9]  }
0x29: {  	s4 =	sld [smem:$0x3FAB]  }
0x2a: {  	p0 =	seq.s32 s5, $0x0;
	s5 =	sld [smem:$0x3FAC]  }
0x2b: {  	s6 =	sld [smem:$0x3FAD]  }
0x2c: {  	s7 =	sld [smem:$0x3FAE]  }
0x2d: {  	s3 =	simm.s32 $0x108;
	s8 =	sld [smem:$0x3FAF]  }
0x2e: {  	s3 =	simm.s32 @!p0 $0x1082;
	s9 =	sld [smem:$0x3FB0]  }
0x2f: {  	lr =	sadd.s32 s0, s3;
	s0 =	sld [smem:$0x3FA7]  }
0x30: {  	s3 =	sld [smem:$0x3FAA]  }
0x31: {  	[smem:$0x3FB3] =	sst s10  }
0x32: {  	s10 =	sld [smem:$0x3FB1];
	_ =	sdelay $0x3  }
0x33: {  	p0 =	seq.s32 s10, $0x1;
	s10 =	sld [smem:$0x3FB3];
	_ =	sdelay $0x3  }
0x34: {  	[smem:$0x3FB3] =	sst s10  }
0x35: {  	s10 =	sld [smem:$0x3FB2];
	_ =	sdelay $0x3  }
0x36: {  	p1 =	seq.s32 s10, $0x1;
	s10 =	sld [smem:$0x3FB3];
	_ =	sdelay $0x3  }
0x37: {  	[smem:$0x3FB3] =	sst s10  }
0x38: {  	s10 =	sld [smem:$0x3FB4]  }
0x39: {  	_ = 	snop;
	(pc) =	sbr.ind lr, $3  }
0x3a: {  	_ = 	snop  }
0x3b: {  	_ = 	snop  }
0x3c: {  	p2 =	seq.s32 s10, $0x1;
	s10 =	sld [smem:$0x3FB3]  }
0x3d: {  	_ =	shalt  }
0x3e: {  	_ =	shalt  }
0x3f: {  	_ =	shalt  }
0x40: {  	_ =	shalt  }
0x41: {  	_ =	shalt  }
0x42: {  	_ =	shalt  }
0x43: {  	_ =	shalt  }
0x44: {  	_ =	shalt  }
0x45: {  	_ =	shalt  }
0x46: {  	_ =	shalt  }
0x47: {  	_ =	shalt  }
0x48: {  	_ =	shalt  }
0x49: {  	_ =	shalt  }
0x4a: {  	_ =	shalt  }
0x4b: {  	_ =	shalt  }
0x4c: {  	_ =	shalt  }
0x4d: {  	_ =	shalt  }
0x4e: {  	_ =	shalt  }
0x4f: {  	_ =	shalt  }
0x50: {  	_ =	shalt  }
0x51: {  	_ =	shalt  }
0x52: {  	_ =	shalt  }
0x53: {  	_ =	shalt  }
0x54: {  	_ =	shalt  }
0x55: {  	_ =	shalt  }
0x56: {  	_ =	shalt  }
0x57: {  	_ =	shalt  }
0x58: {  	_ =	shalt  }
0x59: {  	_ =	shalt  }
0x5a: {  	_ =	shalt  }
0x5b: {  	_ =	shalt  }
0x5c: {  	_ =	shalt  }
0x5d: {  	_ =	shalt  }
0x5e: {  	_ =	shalt  }
0x5f: {  	_ =	shalt  }
0x60: {  	_ =	shalt  }
0x61: {  	_ =	shalt  }
0x62: {  	_ =	shalt  }
0x63: {  	_ =	shalt  }
0x64: {  	_ =	shalt  }
0x65: {  	_ =	shalt  }
0x66: {  	_ =	shalt  }
0x67: {  	_ =	shalt  }
0x68: {  	_ =	shalt  }
0x69: {  	_ =	shalt  }
0x6a: {  	_ =	shalt  }
0x6b: {  	_ =	shalt  }
0x6c: {  	_ =	shalt  }
0x6d: {  	_ =	shalt  }
0x6e: {  	_ =	shalt  }
0x6f: {  	_ =	shalt  }
0x70: {  	_ =	shalt  }
0x71: {  	_ =	shalt  }
0x72: {  	_ =	shalt  }
0x73: {  	_ =	shalt  }
0x74: {  	_ =	shalt  }
0x75: {  	_ =	shalt  }
0x76: {  	_ =	shalt  }
0x77: {  	_ =	shalt  }
0x78: {  	_ =	shalt  }
0x79: {  	_ =	shalt  }
0x7a: {  	_ =	shalt  }
0x7b: {  	_ =	shalt  }
0x7c: {  	_ =	shalt  }
0x7d: {  	_ =	shalt  }
0x7e: {  	_ =	shalt  }
0x7f: {  	_ =	shalt  }
0x80: {  	_ =	shalt  }
0x81: {  	_ =	shalt  }
0x82: {  	_ =	shalt  }
0x83: {  	_ =	shalt  }
0x84: {  	_ =	shalt  }
0x85: {  	_ =	shalt  }
0x86: {  	_ =	shalt  }
0x87: {  	_ =	shalt  }
.Lfunc_end0:
.L_simem_size_0:
called_computation_lowered:
.L_overlay_start_0:
0x88: {  	s2 =	sld [smem:$0x3FD9]  }
0x89: {  	s3 =	sld [smem:$0x3FFE];
	_ =	sdelay $0x1  }
0x8a: {  	s1 =	srdreg.scid  }
0x8b: {  	s0 =	sand.u32 $0x1, s1  }
0x8c: {  	s17 =	sshll.u32 s0, $0xA;
	s2 =	sadd.s32 s3, s2  }
0x8d: {  	s2 =	sadd.s32 s2, s17  }
0x8e: {  	[smem:$0x3FBF] =	sst s2  }
0x8f: {  	_ = 	snop  }
0x90: {  	s2 =	sld [smem:$0x3FC9];
	(tm) =	ssettm $0x1  }
0x91: {  	s18 =	sld [smem:$0x3FFB];
	_ =	sdelay $0x3  }
0x92: {  	_ =	strace s18  }
0x93: {  	s3 =	sld [smem:$0x3FFC];
	_ =	sdelay $0x3  }
0x94: {  	_ =	strace s3  }
0x95: {  	s3 =	sld [smem:$0x3FFD];
	_ =	sdelay $0x3  }
0x96: {  	_ =	strace s3  }
0x97: {  	_ =	strace $0x8FFFFFFF  }
0x98: {  	s19 =	sld [smem:$0x3FDB];
	_ =	sdelay $0x1  }
0x99: {  	s4 =	simm.s32 $_scs_section_size  }
0x9a: {  	s5 =	simm.s32 $_size__tile_overlayer_lowered;
	s6 =	simm.s32 $_tile_overlayer_lowered  }
0x9b: {  	s22 =	simm.s32 $0x1BFF;
	s21 =	sshll.u32 s6, $0x1;
	s3 =	sadd.s32 s4, s19  }
0x9c: {  	s7 =	simm.s32 $0x0;
	s20 =	sshll.u32 s5, $0x1;
	s5 =	sadd.s32 s21, s3  }
0x9d: {  	[timem:s7], [sflag:s22] =	dma.local [hbm:s5], s20  }
0x9e: {  	_ =	swait.ge [sflag:s22], s20  }
0x9f: {  	s4 =	ssub.s32 $0x0, s20;
	[sflag:s22] =	ssyncset.done $0x0  }
0xa0: {  	[sflag:s22] =	ssyncadd.s32 s4;
	_ =	sdelay $0x1  }
0xa1: {  	s23 =	simm.s32 $0x1B8B  }
0xa2: {  	_ =	swait.ge [sflag:s23], $0x1  }
0xa3: {  	[sflag:s23] =	ssyncset.done $0x0  }
0xa4: {  	s25 =	simm.s32 $0x1B8E;
	s24 =	sld [smem:$0x3FFE];
	[sflag:s23] =	ssyncadd.s32 $0xFFFFFFFF  }
0xa5: {  	s26 =	simm.s32 $execute0_lowered;
	[smem:$0x3FD2] =	sst s25  }
0xa6: {  	s5 =	sshll.u32 s26, $0x1;
	_ =	strace $0x80000046;
	[dreg:$0x1] =	wrdreg $0xFFFFFFFF  }
0xa7: {  	s28 =	simm.s32 $_size_execute0_lowered;
	s3 =	sadd.s32 s3, s5;
	[dreg:$0x0] =	wrdreg $0x0  }
0xa8: {  	s5 =	sshll.u32 s28, $0x1;
	[dreg:$0x2] =	wrdreg s3  }
0xa9: {  	[dreg:$0x3] =	wrdreg s5  }
0xaa: {  	[dreg:$0x4] =	wrdreg $0xC0  }
0xab: {  	_ =	task [dreg:s7], $0x5FFFF  }
0xac: {  	[dreg:$0x1] =	wrdreg $0xFFFFFFFF  }
0xad: {  	[dreg:$0x0] =	wrdreg $0x60  }
0xae: {  	[dreg:$0x2] =	wrdreg s2  }
0xaf: {  	[dreg:$0x3] =	wrdreg s24  }
0xb0: {  	[dreg:$0x4] =	wrdreg $0x9  }
0xb1: {  	_ =	task.clear_ibuf [dreg:s7], $0x5FFFF;
	_ =	strace $0x90000046  }
0xb2: {  	s29 =	simm.s32 $0x9;
	_ =	strace $0x80000048  }
0xb3: {  	_ =	swait.ge [sflag:s29], $0x1  }
0xb4: {  	[sflag:s29] =	ssyncadd.s32 $0xFFFFFFFF  }
0xb5: {  	_ =	strace $0x90000048  }
0xb6: {  	_ =	sfence  }
0xb7: {  	s30 =	sld [smem:$0x0];
	_ =	sdelay $0x2  }
0xb8: {  	s31 =	sshll.u32 s1, $0xD;
	s1 =	sshrl.u32 s1, $0x2  }
0xb9: {  	s3 =	sand.u32 $0x4000, s31;
	s1 =	sadd.s32 s1, s30  }
0xba: {  	s0 =	sor.u32 s3, s0;
	s1 =	sshll.u32 s1, $0x11  }
0xbb: {  	s0 =	sor.u32 s1, s0  }
0xbc: {  	s0 =	sadd.s32 $0x8F2B, s0  }
0xbd: {  	[sflag:s0] =	ssyncadd.remote.s32 $0x1  }
0xbe: {  	_ =	sfence.sel $0xFFFF  }
0xbf: {  	[dreg:$0x0] =	wrdreg $0xFFFFFFFF;
	(pc) =	sbr.abs _section_cstart, $3  }
0xc0: {  	[dreg:$0x1] =	wrdreg $0xFFFFFFFF  }
0xc1: {  	_ =	task.clear_ibuf [dreg:s7], $0x2FFFF;
	_ =	strace $0x9FFFFFFF  }
0xc2: {  	(tm) =	ssettm $0x7FFFFFFF  }
0xc3: {  	_ =	shalt  }
tec
execute0_lowered:
.L_overlay_start_1:
0x0: {  	(tag) =	ssettag $0x1  }
0x1: {  	s2 =	rddreg [dreg:$0x0]  }
0x2: {  	s0 =	srdreg.scid;
	s3 =	stileid.u32  }
0x3: {  	s1 =	rddreg [dreg:$0x1];
	s0 =	sand.u32 $0x1, s0;
	s4 =	sshll.u32 s3, $0x1  }
0x4: {  	s3 =	simm.s32 $0x0;
	s7 =	sadd.s32 $0x600, s1;
	s4 =	sor.u32 s0, s4  }
0x5: {  	[smem:$0x7FF] =	sst s3;
	s0 =	ssub.s32 $0x2, s0;
	s6 =	smul.u32 $0x180, s4  }
0x6: {  	_ =	strace $0x80000047;
	s5 =	sshrl.u32 s0, $0x1;
	s4 =	smul.u32 $0xC000, s4  }
0x7: {  	s0 =	ssub.s32 s0, s5;
	s8 =	sshrl.u32 s6, $0x3;
	s15 =	sor.u32 $0x40, s6  }
0x8: {  	s4 =	sadd.s32 s7, s4;
	s19 =	sadd.s32 $0x80, s6;
	s9 =	sadd.s32 $0xC0, s6  }
0x9: {  	s25 =	sadd.s32 $0x100, s6;
	s6 =	sadd.s32 $0x140, s6;
	s14 =	sadd.s32 s1, s8  }
0xa: {  	s16 =	sshrl.u32 s15, $0x3;
	[dreg:$0x4] =	wrdreg s4;
	s18 =	sshll.u32 s15, $0x7  }
0xb: {  	s4 =	sadd.s32 $0x100, s2;
	s20 =	sshrl.u32 s19, $0x3;
	s8 =	sshll.u32 s19, $0x7  }
0xc: {  	s22 =	sshrl.u32 s9, $0x3;
	[dreg:$0x3] =	wrdreg s14;
	s17 =	sadd.s32 s1, s16  }
0xd: {  	s24 =	sshll.u32 s9, $0x7;
	s5 =	sadd.s32 s7, s18;
	[dreg:$0x5] =	wrdreg s17  }
0xe: {  	s26 =	sshrl.u32 s25, $0x3;
	s21 =	sadd.s32 s7, s8;
	[dreg:$0x6] =	wrdreg s5  }
0xf: {  	s9 =	sshll.u32 s25, $0x7;
	s23 =	sadd.s32 s1, s22;
	[dreg:$0x8] =	wrdreg s21  }
0x10: {  	s29 =	sshrl.u32 s6, $0x3;
	s8 =	sadd.s32 s7, s24;
	[dreg:$0x9] =	wrdreg s23  }
0x11: {  	s30 =	sshll.u32 s6, $0x7;
	s28 =	sadd.s32 s7, s9;
	[dreg:$0xa] =	wrdreg s8  }
0x12: {  	s6 =	sadd.s32 $0x300, s2;
	s31 =	sadd.s32 s7, s30;
	[dreg:$0xc] =	wrdreg s28  }
0x13: {  	s7 =	smax.u32 s0, $0x1;
	s5 =	sadd.s32 s1, s20;
	[dreg:$0xe] =	wrdreg s31  }
0x14: {  	v2 =	vlaneseq.u32;
	s14 =	simm.s32 $0x80;
	s8 =	sadd.s32 s1, s26;
	[dreg:$0x7] =	wrdreg s5  }
0x15: {  	vm0 =	vmmov $0xffff;
	v1 =	vshrl.u32 v2, $0x3;
	s18 =	simm.s32 $0x1;
	s1 =	sadd.s32 s1, s29;
	[dreg:$0xb] =	wrdreg s8  }
0x16: {  	v0 =	vand.u32 $0x7, v2;
	v2 =	vor.u32 $0x8, v2;
	v1 =	vmul.u32 $0x8, v1;
	s5 =	sadd.s32 $0x200, s2;
	[dreg:$0xd] =	wrdreg s1;
	s8 =	simm.s32 $0x2  }
.LBB2_1:
0x17: {  	s19 =	rddreg [dreg:$0x3]  }
0x18: {  	[tilespmem:s3], [sflag:$0x2] =	stream.linear.gather [hbm4b:s19+s3], $0x40, $0x38;
	[tilespmem:$0x10080] =	vst v63  }
0x19: {  	_ =	swait.ge [sflag:s8], $0x40  }
0x1a: {  	[sflag:s8] =	ssyncset.done $0x0  }
0x1b: {  	[sflag:s8] =	ssyncadd.s32 $0xFFFFFFC0  }
0x1c: {  	v3 =	vld [tilespmem:$0x0];
	_ =	sdelay $0x4  }
0x1d: {  	v4 =	vshll.u32 v3, $0x3  }
0x1e: {  	v3 =	vand.u32 $0x7, v3;
	v4 =	vand.u32 $0xFFFFFFC0, v4  }
0x1f: {  	v3 =	vor.u32 v3, v4  }
0x20: {  	v4 =	vperm.xlane v3, v0;
	_ =	sdelay $0x1  }
0x21: {  	v4 =	vadd.s32 v1, v4;
	_ =	sdelay $0x4  }
0x22: {  	[tilespmem:s14], [sflag:$0x1] =	stream.indirect_vreg.gather [hbm4b:s2+s3], $0x80, v4, vm0, $0xb8;
	[tilespmem:$0x10080] =	vst v63  }
0x23: {  	s0 =	simm.s32 $0x880;
	v3 =	vperm.xlane v3, v2  }
0x24: {  	[tilespmem:s0], [sflag:$0x1] =	stream.indirect_vreg.gather [hbm4b:s4+s3], $0x80, v4, vm0, $0xb8;
	[tilespmem:$0x10080] =	vst v63  }
0x25: {  	s10 =	simm.s32 $0x1080;
	v3 =	vadd.s32 v1, v3  }
0x26: {  	[tilespmem:s10], [sflag:$0x1] =	stream.indirect_vreg.gather [hbm4b:s5+s3], $0x80, v4, vm0, $0xb8;
	[tilespmem:$0x10080] =	vst v63  }
0x27: {  	s11 =	simm.s32 $0x1880  }
0x28: {  	[tilespmem:s11], [sflag:$0x1] =	stream.indirect_vreg.gather [hbm4b:s6+s3], $0x80, v4, vm0, $0xb8;
	[tilespmem:$0x10080] =	vst v63  }
0x29: {  	s12 =	simm.s32 $0x2080  }
0x2a: {  	[tilespmem:s12], [sflag:$0x1] =	stream.indirect_vreg.gather [hbm4b:s2+s3], $0x80, v3, vm0, $0xb8;
	[tilespmem:$0x10080] =	vst v63  }
0x2b: {  	s13 =	simm.s32 $0x2880  }
0x2c: {  	[tilespmem:s13], [sflag:$0x1] =	stream.indirect_vreg.gather [hbm4b:s4+s3], $0x80, v3, vm0, $0xb8;
	[tilespmem:$0x10080] =	vst v63  }
0x2d: {  	s15 =	simm.s32 $0x3080  }
0x2e: {  	[tilespmem:s15], [sflag:$0x1] =	stream.indirect_vreg.gather [hbm4b:s5+s3], $0x80, v3, vm0, $0xb8;
	[tilespmem:$0x10080] =	vst v63  }
0x2f: {  	s19 =	simm.s32 $0x3880  }
0x30: {  	[tilespmem:s19], [sflag:$0x1] =	stream.indirect_vreg.gather [hbm4b:s6+s3], $0x80, v3, vm0, $0xb8;
	[tilespmem:$0x10080] =	vst v63  }
0x31: {  	v3 =	vld [tilespmem:$0x10];
	_ =	sdelay $0x4  }
0x32: {  	v41 =	vshll.u32 v3, $0x3  }
0x33: {  	v3 =	vand.u32 $0x7, v3;
	v4 =	vand.u32 $0xFFFFFFC0, v41  }
0x34: {  	v3 =	vor.u32 v3, v4  }
0x35: {  	v4 =	vperm.xlane v3, v0;
	_ =	sdelay $0x1  }
0x36: {  	v4 =	vadd.s32 v1, v4;
	_ =	sdelay $0x3  }
0x37: {  	s21 =	simm.s32 $0x4080  }
0x38: {  	[tilespmem:s21], [sflag:$0x1] =	stream.indirect_vreg.gather [hbm4b:s2+s3], $0x80, v4, vm0, $0xb8;
	[tilespmem:$0x10080] =	vst v63  }
0x39: {  	s22 =	simm.s32 $0x4880;
	v3 =	vperm.xlane v3, v2  }
0x3a: {  	[tilespmem:s22], [sflag:$0x1] =	stream.indirect_vreg.gather [hbm4b:s4+s3], $0x80, v4, vm0, $0xb8;
	[tilespmem:$0x10080] =	vst v63  }
0x3b: {  	s23 =	simm.s32 $0x5080;
	v3 =	vadd.s32 v1, v3  }
0x3c: {  	[tilespmem:s23], [sflag:$0x1] =	stream.indirect_vreg.gather [hbm4b:s5+s3], $0x80, v4, vm0, $0xb8;
	[tilespmem:$0x10080] =	vst v63  }
0x3d: {  	s24 =	simm.s32 $0x5880  }
0x3e: {  	[tilespmem:s24], [sflag:$0x1] =	stream.indirect_vreg.gather [hbm4b:s6+s3], $0x80, v4, vm0, $0xb8;
	[tilespmem:$0x10080] =	vst v63  }
0x3f: {  	s25 =	simm.s32 $0x6080  }
0x40: {  	[tilespmem:s25], [sflag:$0x1] =	stream.indirect_vreg.gather [hbm4b:s2+s3], $0x80, v3, vm0, $0xb8;
	[tilespmem:$0x10080] =	vst v63  }
0x41: {  	s26 =	simm.s32 $0x6880  }
0x42: {  	[tilespmem:s26], [sflag:$0x1] =	stream.indirect_vreg.gather [hbm4b:s4+s3], $0x80, v3, vm0, $0xb8;
	[tilespmem:$0x10080] =	vst v63  }
0x43: {  	s30 =	simm.s32 $0x7080  }
0x44: {  	[tilespmem:s30], [sflag:$0x1] =	stream.indirect_vreg.gather [hbm4b:s5+s3], $0x80, v3, vm0, $0xb8;
	[tilespmem:$0x10080] =	vst v63  }
0x45: {  	s10 =	simm.s32 $0x7880  }
0x46: {  	[tilespmem:s10], [sflag:$0x1] =	stream.indirect_vreg.gather [hbm4b:s6+s3], $0x80, v3, vm0, $0xb8;
	[tilespmem:$0x10080] =	vst v63  }
0x47: {  	v3 =	vld [tilespmem:$0x20];
	_ =	sdelay $0x4  }
0x48: {  	v42 =	vshll.u32 v3, $0x3  }
0x49: {  	v3 =	vand.u32 $0x7, v3;
	v4 =	vand.u32 $0xFFFFFFC0, v42  }
0x4a: {  	v3 =	vor.u32 v3, v4  }
0x4b: {  	v4 =	vperm.xlane v3, v0;
	_ =	sdelay $0x1  }
0x4c: {  	v4 =	vadd.s32 v1, v4;
	_ =	sdelay $0x3  }
0x4d: {  	s11 =	simm.s32 $0x8080  }
0x4e: {  	[tilespmem:s11], [sflag:$0x1] =	stream.indirect_vreg.gather [hbm4b:s2+s3], $0x80, v4, vm0, $0xb8;
	[tilespmem:$0x10080] =	vst v63  }
0x4f: {  	s12 =	simm.s32 $0x8880;
	v3 =	vperm.xlane v3, v2  }
0x50: {  	[tilespmem:s12], [sflag:$0x1] =	stream.indirect_vreg.gather [hbm4b:s4+s3], $0x80, v4, vm0, $0xb8;
	[tilespmem:$0x10080] =	vst v63  }
0x51: {  	s13 =	simm.s32 $0x9080;
	v3 =	vadd.s32 v1, v3  }
0x52: {  	[tilespmem:s13], [sflag:$0x1] =	stream.indirect_vreg.gather [hbm4b:s5+s3], $0x80, v4, vm0, $0xb8;
	[tilespmem:$0x10080] =	vst v63  }
0x53: {  	s15 =	simm.s32 $0x9880  }
0x54: {  	[tilespmem:s15], [sflag:$0x1] =	stream.indirect_vreg.gather [hbm4b:s6+s3], $0x80, v4, vm0, $0xb8;
	[tilespmem:$0x10080] =	vst v63  }
0x55: {  	s19 =	simm.s32 $0xA080  }
0x56: {  	[tilespmem:s19], [sflag:$0x1] =	stream.indirect_vreg.gather [hbm4b:s2+s3], $0x80, v3, vm0, $0xb8;
	[tilespmem:$0x10080] =	vst v63  }
0x57: {  	s22 =	simm.s32 $0xA880  }
0x58: {  	[tilespmem:s22], [sflag:$0x1] =	stream.indirect_vreg.gather [hbm4b:s4+s3], $0x80, v3, vm0, $0xb8;
	[tilespmem:$0x10080] =	vst v63  }
0x59: {  	s23 =	simm.s32 $0xB080  }
0x5a: {  	[tilespmem:s23], [sflag:$0x1] =	stream.indirect_vreg.gather [hbm4b:s5+s3], $0x80, v3, vm0, $0xb8;
	[tilespmem:$0x10080] =	vst v63  }
0x5b: {  	s24 =	simm.s32 $0xB880  }
0x5c: {  	[tilespmem:s24], [sflag:$0x1] =	stream.indirect_vreg.gather [hbm4b:s6+s3], $0x80, v3, vm0, $0xb8;
	[tilespmem:$0x10080] =	vst v63  }
0x5d: {  	v3 =	vld [tilespmem:$0x30];
	_ =	sdelay $0x4  }
0x5e: {  	v43 =	vshll.u32 v3, $0x3  }
0x5f: {  	v3 =	vand.u32 $0x7, v3;
	v4 =	vand.u32 $0xFFFFFFC0, v43  }
0x60: {  	v3 =	vor.u32 v3, v4  }
0x61: {  	v4 =	vperm.xlane v3, v0;
	_ =	sdelay $0x1  }
0x62: {  	v4 =	vadd.s32 v1, v4;
	_ =	sdelay $0x3  }
0x63: {  	s25 =	simm.s32 $0xC080  }
0x64: {  	[tilespmem:s25], [sflag:$0x1] =	stream.indirect_vreg.gather [hbm4b:s2+s3], $0x80, v4, vm0, $0xb8;
	[tilespmem:$0x10080] =	vst v63  }
0x65: {  	s26 =	simm.s32 $0xC880;
	v3 =	vperm.xlane v3, v2  }
0x66: {  	[tilespmem:s26], [sflag:$0x1] =	stream.indirect_vreg.gather [hbm4b:s4+s3], $0x80, v4, vm0, $0xb8;
	[tilespmem:$0x10080] =	vst v63  }
0x67: {  	s30 =	simm.s32 $0xD080;
	v3 =	vadd.s32 v1, v3  }
0x68: {  	[tilespmem:s30], [sflag:$0x1] =	stream.indirect_vreg.gather [hbm4b:s5+s3], $0x80, v4, vm0, $0xb8;
	[tilespmem:$0x10080] =	vst v63  }
0x69: {  	s0 =	simm.s32 $0xD880  }
0x6a: {  	[tilespmem:s0], [sflag:$0x1] =	stream.indirect_vreg.gather [hbm4b:s6+s3], $0x80, v4, vm0, $0xb8;
	[tilespmem:$0x10080] =	vst v63  }
0x6b: {  	s13 =	simm.s32 $0xE080  }
0x6c: {  	[tilespmem:s13], [sflag:$0x1] =	stream.indirect_vreg.gather [hbm4b:s2+s3], $0x80, v3, vm0, $0xb8;
	[tilespmem:$0x10080] =	vst v63  }
0x6d: {  	s24 =	simm.s32 $0xE880  }
0x6e: {  	[tilespmem:s24], [sflag:$0x1] =	stream.indirect_vreg.gather [hbm4b:s4+s3], $0x80, v3, vm0, $0xb8;
	[tilespmem:$0x10080] =	vst v63  }
0x6f: {  	s25 =	simm.s32 $0xF080  }
0x70: {  	[tilespmem:s25], [sflag:$0x1] =	stream.indirect_vreg.gather [hbm4b:s5+s3], $0x80, v3, vm0, $0xb8;
	[tilespmem:$0x10080] =	vst v63  }
0x71: {  	s26 =	simm.s32 $0xF880  }
0x72: {  	[tilespmem:s26], [sflag:$0x1] =	stream.indirect_vreg.gather [hbm4b:s6+s3], $0x80, v3, vm0, $0xb8;
	[tilespmem:$0x10080] =	vst v63  }
0x73: {  	_ =	swait.ge [sflag:s18], $0x10000  }
0x74: {  	[sflag:s18] =	ssyncset.done $0x0  }
0x75: {  	s30 =	rddreg [dreg:$0x4];
	[sflag:s18] =	ssyncadd.s32 $0xFFFF0000  }
0x76: {  	[hbm4b:s30+s3] =	stream.linear.scatter [tilespmem:s14], [sflag:$0x2], $0x10000, $0x38;
	[tilespmem:$0x10080] =	vst v63  }
0x77: {  	_ =	swait.ge [sflag:s8], $0x10000  }
0x78: {  	[sflag:s8] =	ssyncset.done $0x0  }
0x79: {  	s0 =	rddreg [dreg:$0x5];
	[sflag:s8] =	ssyncadd.s32 $0xFFFF0000  }
0x7a: {  	[tilespmem:s3], [sflag:$0x2] =	stream.linear.gather [hbm4b:s0+s3], $0x40, $0x38;
	[tilespmem:$0x10080] =	vst v63  }
0x7b: {  	_ =	swait.ge [sflag:s8], $0x40  }
0x7c: {  	[sflag:s8] =	ssyncset.done $0x0  }
0x7d: {  	[sflag:s8] =	ssyncadd.s32 $0xFFFFFFC0  }
0x7e: {  	v3 =	vld [tilespmem:$0x0];
	_ =	sdelay $0x4  }
0x7f: {  	v44 =	vshll.u32 v3, $0x3  }
0x80: {  	v3 =	vand.u32 $0x7, v3;
	v4 =	vand.u32 $0xFFFFFFC0, v44  }
0x81: {  	v3 =	vor.u32 v3, v4  }
0x82: {  	v4 =	vperm.xlane v3, v0;
	_ =	sdelay $0x1  }
0x83: {  	v4 =	vadd.s32 v1, v4;
	_ =	sdelay $0x4  }
0x84: {  	[tilespmem:s14], [sflag:$0x1] =	stream.indirect_vreg.gather [hbm4b:s2+s3], $0x80, v4, vm0, $0xb8;
	[tilespmem:$0x10080] =	vst v63  }
0x85: {  	s28 =	simm.s32 $0x880;
	v3 =	vperm.xlane v3, v2  }
0x86: {  	[tilespmem:s28], [sflag:$0x1] =	stream.indirect_vreg.gather [hbm4b:s4+s3], $0x80, v4, vm0, $0xb8;
	[tilespmem:$0x10080] =	vst v63  }
0x87: {  	s1 =	simm.s32 $0x1080;
	v3 =	vadd.s32 v1, v3  }
0x88: {  	[tilespmem:s1], [sflag:$0x1] =	stream.indirect_vreg.gather [hbm4b:s5+s3], $0x80, v4, vm0, $0xb8;
	[tilespmem:$0x10080] =	vst v63  }
0x89: {  	s9 =	simm.s32 $0x1880  }
0x8a: {  	[tilespmem:s9], [sflag:$0x1] =	stream.indirect_vreg.gather [hbm4b:s6+s3], $0x80, v4, vm0, $0xb8;
	[tilespmem:$0x10080] =	vst v63  }
0x8b: {  	s16 =	simm.s32 $0x2080  }
0x8c: {  	[tilespmem:s16], [sflag:$0x1] =	stream.indirect_vreg.gather [hbm4b:s2+s3], $0x80, v3, vm0, $0xb8;
	[tilespmem:$0x10080] =	vst v63  }
0x8d: {  	s17 =	simm.s32 $0x2880  }
0x8e: {  	[tilespmem:s17], [sflag:$0x1] =	stream.indirect_vreg.gather [hbm4b:s4+s3], $0x80, v3, vm0, $0xb8;
	[tilespmem:$0x10080] =	vst v63  }
0x8f: {  	s20 =	simm.s32 $0x3080  }
0x90: {  	[tilespmem:s20], [sflag:$0x1] =	stream.indirect_vreg.gather [hbm4b:s5+s3], $0x80, v3, vm0, $0xb8;
	[tilespmem:$0x10080] =	vst v63  }
0x91: {  	s29 =	simm.s32 $0x3880  }
0x92: {  	[tilespmem:s29], [sflag:$0x1] =	stream.indirect_vreg.gather [hbm4b:s6+s3], $0x80, v3, vm0, $0xb8;
	[tilespmem:$0x10080] =	vst v63  }
0x93: {  	v3 =	vld [tilespmem:$0x10];
	_ =	sdelay $0x4  }
0x94: {  	v45 =	vshll.u32 v3, $0x3  }
0x95: {  	v3 =	vand.u32 $0x7, v3;
	v4 =	vand.u32 $0xFFFFFFC0, v45  }
0x96: {  	v3 =	vor.u32 v3, v4  }
0x97: {  	v4 =	vperm.xlane v3, v0;
	_ =	sdelay $0x1  }
0x98: {  	v4 =	vadd.s32 v1, v4;
	_ =	sdelay $0x3  }
0x99: {  	s30 =	simm.s32 $0x4080  }
0x9a: {  	[tilespmem:s30], [sflag:$0x1] =	stream.indirect_vreg.gather [hbm4b:s2+s3], $0x80, v4, vm0, $0xb8;
	[tilespmem:$0x10080] =	vst v63  }
0x9b: {  	s31 =	simm.s32 $0x4880;
	v3 =	vperm.xlane v3, v2  }
0x9c: {  	[tilespmem:s31], [sflag:$0x1] =	stream.indirect_vreg.gather [hbm4b:s4+s3], $0x80, v4, vm0, $0xb8;
	[tilespmem:$0x10080] =	vst v63  }
0x9d: {  	s21 =	simm.s32 $0x5080;
	v3 =	vadd.s32 v1, v3  }
0x9e: {  	[tilespmem:s21], [sflag:$0x1] =	stream.indirect_vreg.gather [hbm4b:s5+s3], $0x80, v4, vm0, $0xb8;
	[tilespmem:$0x10080] =	vst v63  }
0x9f: {  	s31 =	simm.s32 $0x5880  }
0xa0: {  	[tilespmem:s31], [sflag:$0x1] =	stream.indirect_vreg.gather [hbm4b:s6+s3], $0x80, v4, vm0, $0xb8;
	[tilespmem:$0x10080] =	vst v63  }
0xa1: {  	s1 =	simm.s32 $0x6080  }
0xa2: {  	[tilespmem:s1], [sflag:$0x1] =	stream.indirect_vreg.gather [hbm4b:s2+s3], $0x80, v3, vm0, $0xb8;
	[tilespmem:$0x10080] =	vst v63  }
0xa3: {  	s0 =	simm.s32 $0x6880  }
0xa4: {  	[tilespmem:s0], [sflag:$0x1] =	stream.indirect_vreg.gather [hbm4b:s4+s3], $0x80, v3, vm0, $0xb8;
	[tilespmem:$0x10080] =	vst v63  }
0xa5: {  	s9 =	simm.s32 $0x7080  }
0xa6: {  	[tilespmem:s9], [sflag:$0x1] =	stream.indirect_vreg.gather [hbm4b:s5+s3], $0x80, v3, vm0, $0xb8;
	[tilespmem:$0x10080] =	vst v63  }
0xa7: {  	s21 =	simm.s32 $0x7880  }
0xa8: {  	[tilespmem:s21], [sflag:$0x1] =	stream.indirect_vreg.gather [hbm4b:s6+s3], $0x80, v3, vm0, $0xb8;
	[tilespmem:$0x10080] =	vst v63  }
0xa9: {  	v3 =	vld [tilespmem:$0x20];
	_ =	sdelay $0x4  }
0xaa: {  	v46 =	vshll.u32 v3, $0x3  }
0xab: {  	v3 =	vand.u32 $0x7, v3;
	v4 =	vand.u32 $0xFFFFFFC0, v46  }
0xac: {  	v3 =	vor.u32 v3, v4  }
0xad: {  	v4 =	vperm.xlane v3, v0;
	_ =	sdelay $0x1  }
0xae: {  	v4 =	vadd.s32 v1, v4;
	_ =	sdelay $0x3  }
0xaf: {  	s28 =	simm.s32 $0x8080  }
0xb0: {  	[tilespmem:s28], [sflag:$0x1] =	stream.indirect_vreg.gather [hbm4b:s2+s3], $0x80, v4, vm0, $0xb8;
	[tilespmem:$0x10080] =	vst v63  }
0xb1: {  	s29 =	simm.s32 $0x8880;
	v3 =	vperm.xlane v3, v2  }
0xb2: {  	[tilespmem:s29], [sflag:$0x1] =	stream.indirect_vreg.gather [hbm4b:s4+s3], $0x80, v4, vm0, $0xb8;
	[tilespmem:$0x10080] =	vst v63  }
0xb3: {  	s16 =	simm.s32 $0x9080;
	v3 =	vadd.s32 v1, v3  }
0xb4: {  	[tilespmem:s16], [sflag:$0x1] =	stream.indirect_vreg.gather [hbm4b:s5+s3], $0x80, v4, vm0, $0xb8;
	[tilespmem:$0x10080] =	vst v63  }
0xb5: {  	s17 =	simm.s32 $0x9880  }
0xb6: {  	[tilespmem:s17], [sflag:$0x1] =	stream.indirect_vreg.gather [hbm4b:s6+s3], $0x80, v4, vm0, $0xb8;
	[tilespmem:$0x10080] =	vst v63  }
0xb7: {  	s20 =	simm.s32 $0xA080  }
0xb8: {  	[tilespmem:s20], [sflag:$0x1] =	stream.indirect_vreg.gather [hbm4b:s2+s3], $0x80, v3, vm0, $0xb8;
	[tilespmem:$0x10080] =	vst v63  }
0xb9: {  	s22 =	simm.s32 $0xA880  }
0xba: {  	[tilespmem:s22], [sflag:$0x1] =	stream.indirect_vreg.gather [hbm4b:s4+s3], $0x80, v3, vm0, $0xb8;
	[tilespmem:$0x10080] =	vst v63  }
0xbb: {  	s15 =	simm.s32 $0xB080  }
0xbc: {  	[tilespmem:s15], [sflag:$0x1] =	stream.indirect_vreg.gather [hbm4b:s5+s3], $0x80, v3, vm0, $0xb8;
	[tilespmem:$0x10080] =	vst v63  }
0xbd: {  	s10 =	simm.s32 $0xB880  }
0xbe: {  	[tilespmem:s10], [sflag:$0x1] =	stream.indirect_vreg.gather [hbm4b:s6+s3], $0x80, v3, vm0, $0xb8;
	[tilespmem:$0x10080] =	vst v63  }
0xbf: {  	v3 =	vld [tilespmem:$0x30];
	_ =	sdelay $0x4  }
0xc0: {  	v47 =	vshll.u32 v3, $0x3  }
0xc1: {  	v3 =	vand.u32 $0x7, v3;
	v4 =	vand.u32 $0xFFFFFFC0, v47  }
0xc2: {  	v3 =	vor.u32 v3, v4  }
0xc3: {  	v4 =	vperm.xlane v3, v0;
	_ =	sdelay $0x1  }
0xc4: {  	v4 =	vadd.s32 v1, v4;
	_ =	sdelay $0x3  }
0xc5: {  	s11 =	simm.s32 $0xC080  }
0xc6: {  	[tilespmem:s11], [sflag:$0x1] =	stream.indirect_vreg.gather [hbm4b:s2+s3], $0x80, v4, vm0, $0xb8;
	[tilespmem:$0x10080] =	vst v63  }
0xc7: {  	s12 =	simm.s32 $0xC880;
	v3 =	vperm.xlane v3, v2  }
0xc8: {  	[tilespmem:s12], [sflag:$0x1] =	stream.indirect_vreg.gather [hbm4b:s4+s3], $0x80, v4, vm0, $0xb8;
	[tilespmem:$0x10080] =	vst v63  }
0xc9: {  	v3 =	vadd.s32 v1, v3;
	s12 =	simm.s32 $0xD080  }
0xca: {  	[tilespmem:s12], [sflag:$0x1] =	stream.indirect_vreg.gather [hbm4b:s5+s3], $0x80, v4, vm0, $0xb8;
	[tilespmem:$0x10080] =	vst v63  }
0xcb: {  	s23 =	simm.s32 $0xD880  }
0xcc: {  	[tilespmem:s23], [sflag:$0x1] =	stream.indirect_vreg.gather [hbm4b:s6+s3], $0x80, v4, vm0, $0xb8;
	[tilespmem:$0x10080] =	vst v63  }
0xcd: {  	s19 =	simm.s32 $0xE080  }
0xce: {  	[tilespmem:s19], [sflag:$0x1] =	stream.indirect_vreg.gather [hbm4b:s2+s3], $0x80, v3, vm0, $0xb8;
	[tilespmem:$0x10080] =	vst v63  }
0xcf: {  	s22 =	simm.s32 $0xE880  }
0xd0: {  	[tilespmem:s22], [sflag:$0x1] =	stream.indirect_vreg.gather [hbm4b:s4+s3], $0x80, v3, vm0, $0xb8;
	[tilespmem:$0x10080] =	vst v63  }
0xd1: {  	s23 =	simm.s32 $0xF080  }
0xd2: {  	[tilespmem:s23], [sflag:$0x1] =	stream.indirect_vreg.gather [hbm4b:s5+s3], $0x80, v3, vm0, $0xb8;
	[tilespmem:$0x10080] =	vst v63  }
0xd3: {  	s13 =	simm.s32 $0xF880  }
0xd4: {  	[tilespmem:s13], [sflag:$0x1] =	stream.indirect_vreg.gather [hbm4b:s6+s3], $0x80, v3, vm0, $0xb8;
	[tilespmem:$0x10080] =	vst v63  }
0xd5: {  	_ =	swait.ge [sflag:s18], $0x10000  }
0xd6: {  	[sflag:s18] =	ssyncset.done $0x0  }
0xd7: {  	s19 =	rddreg [dreg:$0x6];
	[sflag:s18] =	ssyncadd.s32 $0xFFFF0000  }
0xd8: {  	[hbm4b:s19+s3] =	stream.linear.scatter [tilespmem:s14], [sflag:$0x2], $0x10000, $0x38;
	[tilespmem:$0x10080] =	vst v63  }
0xd9: {  	_ =	swait.ge [sflag:s8], $0x10000  }
0xda: {  	[sflag:s8] =	ssyncset.done $0x0  }
0xdb: {  	s19 =	rddreg [dreg:$0x7];
	[sflag:s8] =	ssyncadd.s32 $0xFFFF0000  }
0xdc: {  	[tilespmem:s3], [sflag:$0x2] =	stream.linear.gather [hbm4b:s19+s3], $0x40, $0x38;
	[tilespmem:$0x10080] =	vst v63  }
0xdd: {  	_ =	swait.ge [sflag:s8], $0x40  }
0xde: {  	[sflag:s8] =	ssyncset.done $0x0  }
0xdf: {  	[sflag:s8] =	ssyncadd.s32 $0xFFFFFFC0  }
0xe0: {  	v3 =	vld [tilespmem:$0x0];
	_ =	sdelay $0x4  }
0xe1: {  	v48 =	vshll.u32 v3, $0x3  }
0xe2: {  	v3 =	vand.u32 $0x7, v3;
	v4 =	vand.u32 $0xFFFFFFC0, v48  }
0xe3: {  	v3 =	vor.u32 v3, v4  }
0xe4: {  	v4 =	vperm.xlane v3, v0;
	_ =	sdelay $0x1  }
0xe5: {  	v4 =	vadd.s32 v1, v4;
	_ =	sdelay $0x4  }
0xe6: {  	[tilespmem:s14], [sflag:$0x1] =	stream.indirect_vreg.gather [hbm4b:s2+s3], $0x80, v4, vm0, $0xb8;
	[tilespmem:$0x10080] =	vst v63  }
0xe7: {  	s19 =	simm.s32 $0x880;
	v3 =	vperm.xlane v3, v2  }
0xe8: {  	[tilespmem:s19], [sflag:$0x1] =	stream.indirect_vreg.gather [hbm4b:s4+s3], $0x80, v4, vm0, $0xb8;
	[tilespmem:$0x10080] =	vst v63  }
0xe9: {  	s25 =	simm.s32 $0x1080;
	v3 =	vadd.s32 v1, v3  }
0xea: {  	[tilespmem:s25], [sflag:$0x1] =	stream.indirect_vreg.gather [hbm4b:s5+s3], $0x80, v4, vm0, $0xb8;
	[tilespmem:$0x10080] =	vst v63  }
0xeb: {  	s26 =	simm.s32 $0x1880  }
0xec: {  	[tilespmem:s26], [sflag:$0x1] =	stream.indirect_vreg.gather [hbm4b:s6+s3], $0x80, v4, vm0, $0xb8;
	[tilespmem:$0x10080] =	vst v63  }
0xed: {  	s25 =	simm.s32 $0x2080  }
0xee: {  	[tilespmem:s25], [sflag:$0x1] =	stream.indirect_vreg.gather [hbm4b:s2+s3], $0x80, v3, vm0, $0xb8;
	[tilespmem:$0x10080] =	vst v63  }
0xef: {  	s26 =	simm.s32 $0x2880  }
0xf0: {  	[tilespmem:s26], [sflag:$0x1] =	stream.indirect_vreg.gather [hbm4b:s4+s3], $0x80, v3, vm0, $0xb8;
	[tilespmem:$0x10080] =	vst v63  }
0xf1: {  	s25 =	simm.s32 $0x3080  }
0xf2: {  	[tilespmem:s25], [sflag:$0x1] =	stream.indirect_vreg.gather [hbm4b:s5+s3], $0x80, v3, vm0, $0xb8;
	[tilespmem:$0x10080] =	vst v63  }
0xf3: {  	s26 =	simm.s32 $0x3880  }
0xf4: {  	[tilespmem:s26], [sflag:$0x1] =	stream.indirect_vreg.gather [hbm4b:s6+s3], $0x80, v3, vm0, $0xb8;
	[tilespmem:$0x10080] =	vst v63  }
0xf5: {  	v3 =	vld [tilespmem:$0x10];
	_ =	sdelay $0x4  }
0xf6: {  	v49 =	vshll.u32 v3, $0x3  }
0xf7: {  	v3 =	vand.u32 $0x7, v3;
	v4 =	vand.u32 $0xFFFFFFC0, v49  }
0xf8: {  	v3 =	vor.u32 v3, v4  }
0xf9: {  	v4 =	vperm.xlane v3, v0;
	_ =	sdelay $0x1  }
0xfa: {  	v4 =	vadd.s32 v1, v4;
	_ =	sdelay $0x4  }
0xfb: {  	[tilespmem:s30], [sflag:$0x1] =	stream.indirect_vreg.gather [hbm4b:s2+s3], $0x80, v4, vm0, $0xb8;
	[tilespmem:$0x10080] =	vst v63  }
0xfc: {  	s25 =	simm.s32 $0x4880;
	v3 =	vperm.xlane v3, v2  }
0xfd: {  	[tilespmem:s25], [sflag:$0x1] =	stream.indirect_vreg.gather [hbm4b:s4+s3], $0x80, v4, vm0, $0xb8;
	[tilespmem:$0x10080] =	vst v63  }
0xfe: {  	s26 =	simm.s32 $0x5080;
	v3 =	vadd.s32 v1, v3  }
0xff: {  	[tilespmem:s26], [sflag:$0x1] =	stream.indirect_vreg.gather [hbm4b:s5+s3], $0x80, v4, vm0, $0xb8;
	[tilespmem:$0x10080] =	vst v63  }
0x100: {  	_ = 	snop  }
0x101: {  	[tilespmem:s31], [sflag:$0x1] =	stream.indirect_vreg.gather [hbm4b:s6+s3], $0x80, v4, vm0, $0xb8;
	[tilespmem:$0x10080] =	vst v63  }
0x102: {  	_ = 	snop  }
0x103: {  	[tilespmem:s1], [sflag:$0x1] =	stream.indirect_vreg.gather [hbm4b:s2+s3], $0x80, v3, vm0, $0xb8;
	[tilespmem:$0x10080] =	vst v63  }
0x104: {  	_ = 	snop  }
0x105: {  	[tilespmem:s0], [sflag:$0x1] =	stream.indirect_vreg.gather [hbm4b:s4+s3], $0x80, v3, vm0, $0xb8;
	[tilespmem:$0x10080] =	vst v63  }
0x106: {  	_ = 	snop  }
0x107: {  	[tilespmem:s9], [sflag:$0x1] =	stream.indirect_vreg.gather [hbm4b:s5+s3], $0x80, v3, vm0, $0xb8;
	[tilespmem:$0x10080] =	vst v63  }
0x108: {  	_ = 	snop  }
0x109: {  	[tilespmem:s21], [sflag:$0x1] =	stream.indirect_vreg.gather [hbm4b:s6+s3], $0x80, v3, vm0, $0xb8;
	[tilespmem:$0x10080] =	vst v63  }
0x10a: {  	v3 =	vld [tilespmem:$0x20];
	_ =	sdelay $0x4  }
0x10b: {  	v50 =	vshll.u32 v3, $0x3  }
0x10c: {  	v3 =	vand.u32 $0x7, v3;
	v4 =	vand.u32 $0xFFFFFFC0, v50  }
0x10d: {  	v3 =	vor.u32 v3, v4  }
0x10e: {  	v4 =	vperm.xlane v3, v0;
	_ =	sdelay $0x1  }
0x10f: {  	v4 =	vadd.s32 v1, v4;
	_ =	sdelay $0x4  }
0x110: {  	[tilespmem:s28], [sflag:$0x1] =	stream.indirect_vreg.gather [hbm4b:s2+s3], $0x80, v4, vm0, $0xb8;
	[tilespmem:$0x10080] =	vst v63  }
0x111: {  	v3 =	vperm.xlane v3, v2  }
0x112: {  	[tilespmem:s29], [sflag:$0x1] =	stream.indirect_vreg.gather [hbm4b:s4+s3], $0x80, v4, vm0, $0xb8;
	[tilespmem:$0x10080] =	vst v63  }
0x113: {  	v3 =	vadd.s32 v1, v3  }
0x114: {  	[tilespmem:s16], [sflag:$0x1] =	stream.indirect_vreg.gather [hbm4b:s5+s3], $0x80, v4, vm0, $0xb8;
	[tilespmem:$0x10080] =	vst v63  }
0x115: {  	_ = 	snop  }
0x116: {  	[tilespmem:s17], [sflag:$0x1] =	stream.indirect_vreg.gather [hbm4b:s6+s3], $0x80, v4, vm0, $0xb8;
	[tilespmem:$0x10080] =	vst v63  }
0x117: {  	_ = 	snop  }
0x118: {  	[tilespmem:s20], [sflag:$0x1] =	stream.indirect_vreg.gather [hbm4b:s2+s3], $0x80, v3, vm0, $0xb8;
	[tilespmem:$0x10080] =	vst v63  }
0x119: {  	s24 =	simm.s32 $0xA880  }
0x11a: {  	[tilespmem:s24], [sflag:$0x1] =	stream.indirect_vreg.gather [hbm4b:s4+s3], $0x80, v3, vm0, $0xb8;
	[tilespmem:$0x10080] =	vst v63  }
0x11b: {  	s15 =	simm.s32 $0xB080  }
0x11c: {  	[tilespmem:s15], [sflag:$0x1] =	stream.indirect_vreg.gather [hbm4b:s5+s3], $0x80, v3, vm0, $0xb8;
	[tilespmem:$0x10080] =	vst v63  }
0x11d: {  	s24 =	simm.s32 $0xB880  }
0x11e: {  	[tilespmem:s24], [sflag:$0x1] =	stream.indirect_vreg.gather [hbm4b:s6+s3], $0x80, v3, vm0, $0xb8;
	[tilespmem:$0x10080] =	vst v63  }
0x11f: {  	v3 =	vld [tilespmem:$0x30];
	_ =	sdelay $0x4  }
0x120: {  	v51 =	vshll.u32 v3, $0x3  }
0x121: {  	v3 =	vand.u32 $0x7, v3;
	v4 =	vand.u32 $0xFFFFFFC0, v51  }
0x122: {  	v3 =	vor.u32 v3, v4  }
0x123: {  	v4 =	vperm.xlane v3, v0;
	_ =	sdelay $0x1  }
0x124: {  	v4 =	vadd.s32 v1, v4;
	_ =	sdelay $0x3  }
0x125: {  	s28 =	simm.s32 $0xC080  }
0x126: {  	[tilespmem:s28], [sflag:$0x1] =	stream.indirect_vreg.gather [hbm4b:s2+s3], $0x80, v4, vm0, $0xb8;
	[tilespmem:$0x10080] =	vst v63  }
0x127: {  	s20 =	simm.s32 $0xC880;
	v3 =	vperm.xlane v3, v2  }
0x128: {  	[tilespmem:s20], [sflag:$0x1] =	stream.indirect_vreg.gather [hbm4b:s4+s3], $0x80, v4, vm0, $0xb8;
	[tilespmem:$0x10080] =	vst v63  }
0x129: {  	s10 =	simm.s32 $0xD080;
	v3 =	vadd.s32 v1, v3  }
0x12a: {  	[tilespmem:s10], [sflag:$0x1] =	stream.indirect_vreg.gather [hbm4b:s5+s3], $0x80, v4, vm0, $0xb8;
	[tilespmem:$0x10080] =	vst v63  }
0x12b: {  	s11 =	simm.s32 $0xD880  }
0x12c: {  	[tilespmem:s11], [sflag:$0x1] =	stream.indirect_vreg.gather [hbm4b:s6+s3], $0x80, v4, vm0, $0xb8;
	[tilespmem:$0x10080] =	vst v63  }
0x12d: {  	s12 =	simm.s32 $0xE080  }
0x12e: {  	[tilespmem:s12], [sflag:$0x1] =	stream.indirect_vreg.gather [hbm4b:s2+s3], $0x80, v3, vm0, $0xb8;
	[tilespmem:$0x10080] =	vst v63  }
0x12f: {  	s22 =	simm.s32 $0xE880  }
0x130: {  	[tilespmem:s22], [sflag:$0x1] =	stream.indirect_vreg.gather [hbm4b:s4+s3], $0x80, v3, vm0, $0xb8;
	[tilespmem:$0x10080] =	vst v63  }
0x131: {  	s23 =	simm.s32 $0xF080  }
0x132: {  	[tilespmem:s23], [sflag:$0x1] =	stream.indirect_vreg.gather [hbm4b:s5+s3], $0x80, v3, vm0, $0xb8;
	[tilespmem:$0x10080] =	vst v63  }
0x133: {  	s13 =	simm.s32 $0xF880  }
0x134: {  	[tilespmem:s13], [sflag:$0x1] =	stream.indirect_vreg.gather [hbm4b:s6+s3], $0x80, v3, vm0, $0xb8;
	[tilespmem:$0x10080] =	vst v63  }
0x135: {  	_ =	swait.ge [sflag:s18], $0x10000  }
0x136: {  	[sflag:s18] =	ssyncset.done $0x0  }
0x137: {  	s23 =	rddreg [dreg:$0x8];
	[sflag:s18] =	ssyncadd.s32 $0xFFFF0000  }
0x138: {  	[hbm4b:s23+s3] =	stream.linear.scatter [tilespmem:s14], [sflag:$0x2], $0x10000, $0x38;
	[tilespmem:$0x10080] =	vst v63  }
0x139: {  	_ =	swait.ge [sflag:s8], $0x10000  }
0x13a: {  	[sflag:s8] =	ssyncset.done $0x0  }
0x13b: {  	s23 =	rddreg [dreg:$0x9];
	[sflag:s8] =	ssyncadd.s32 $0xFFFF0000  }
0x13c: {  	[tilespmem:s3], [sflag:$0x2] =	stream.linear.gather [hbm4b:s23+s3], $0x40, $0x38;
	[tilespmem:$0x10080] =	vst v63  }
0x13d: {  	_ =	swait.ge [sflag:s8], $0x40  }
0x13e: {  	[sflag:s8] =	ssyncset.done $0x0  }
0x13f: {  	[sflag:s8] =	ssyncadd.s32 $0xFFFFFFC0  }
0x140: {  	v3 =	vld [tilespmem:$0x0];
	_ =	sdelay $0x4  }
0x141: {  	v52 =	vshll.u32 v3, $0x3  }
0x142: {  	v3 =	vand.u32 $0x7, v3;
	v4 =	vand.u32 $0xFFFFFFC0, v52  }
0x143: {  	v3 =	vor.u32 v3, v4  }
0x144: {  	v4 =	vperm.xlane v3, v0;
	_ =	sdelay $0x1  }
0x145: {  	v4 =	vadd.s32 v1, v4;
	_ =	sdelay $0x4  }
0x146: {  	[tilespmem:s14], [sflag:$0x1] =	stream.indirect_vreg.gather [hbm4b:s2+s3], $0x80, v4, vm0, $0xb8;
	[tilespmem:$0x10080] =	vst v63  }
0x147: {  	s23 =	simm.s32 $0x880;
	v3 =	vperm.xlane v3, v2  }
0x148: {  	[tilespmem:s23], [sflag:$0x1] =	stream.indirect_vreg.gather [hbm4b:s4+s3], $0x80, v4, vm0, $0xb8;
	[tilespmem:$0x10080] =	vst v63  }
0x149: {  	v3 =	vadd.s32 v1, v3;
	s23 =	simm.s32 $0x1080  }
0x14a: {  	[tilespmem:s23], [sflag:$0x1] =	stream.indirect_vreg.gather [hbm4b:s5+s3], $0x80, v4, vm0, $0xb8;
	[tilespmem:$0x10080] =	vst v63  }
0x14b: {  	s23 =	simm.s32 $0x1880  }
0x14c: {  	[tilespmem:s23], [sflag:$0x1] =	stream.indirect_vreg.gather [hbm4b:s6+s3], $0x80, v4, vm0, $0xb8;
	[tilespmem:$0x10080] =	vst v63  }
0x14d: {  	s23 =	simm.s32 $0x2080  }
0x14e: {  	[tilespmem:s23], [sflag:$0x1] =	stream.indirect_vreg.gather [hbm4b:s2+s3], $0x80, v3, vm0, $0xb8;
	[tilespmem:$0x10080] =	vst v63  }
0x14f: {  	s23 =	simm.s32 $0x2880  }
0x150: {  	[tilespmem:s23], [sflag:$0x1] =	stream.indirect_vreg.gather [hbm4b:s4+s3], $0x80, v3, vm0, $0xb8;
	[tilespmem:$0x10080] =	vst v63  }
0x151: {  	s23 =	simm.s32 $0x3080  }
0x152: {  	[tilespmem:s23], [sflag:$0x1] =	stream.indirect_vreg.gather [hbm4b:s5+s3], $0x80, v3, vm0, $0xb8;
	[tilespmem:$0x10080] =	vst v63  }
0x153: {  	s23 =	simm.s32 $0x3880  }
0x154: {  	[tilespmem:s23], [sflag:$0x1] =	stream.indirect_vreg.gather [hbm4b:s6+s3], $0x80, v3, vm0, $0xb8;
	[tilespmem:$0x10080] =	vst v63  }
0x155: {  	v3 =	vld [tilespmem:$0x10];
	_ =	sdelay $0x4  }
0x156: {  	v53 =	vshll.u32 v3, $0x3  }
0x157: {  	v3 =	vand.u32 $0x7, v3;
	v4 =	vand.u32 $0xFFFFFFC0, v53  }
0x158: {  	v3 =	vor.u32 v3, v4  }
0x159: {  	v4 =	vperm.xlane v3, v0;
	_ =	sdelay $0x1  }
0x15a: {  	v4 =	vadd.s32 v1, v4;
	_ =	sdelay $0x3  }
0x15b: {  	s30 =	simm.s32 $0x4080  }
0x15c: {  	[tilespmem:s30], [sflag:$0x1] =	stream.indirect_vreg.gather [hbm4b:s2+s3], $0x80, v4, vm0, $0xb8;
	[tilespmem:$0x10080] =	vst v63  }
0x15d: {  	v3 =	vperm.xlane v3, v2;
	s30 =	simm.s32 $0x4880  }
0x15e: {  	[tilespmem:s30], [sflag:$0x1] =	stream.indirect_vreg.gather [hbm4b:s4+s3], $0x80, v4, vm0, $0xb8;
	[tilespmem:$0x10080] =	vst v63  }
0x15f: {  	v3 =	vadd.s32 v1, v3;
	s30 =	simm.s32 $0x5080  }
0x160: {  	[tilespmem:s30], [sflag:$0x1] =	stream.indirect_vreg.gather [hbm4b:s5+s3], $0x80, v4, vm0, $0xb8;
	[tilespmem:$0x10080] =	vst v63  }
0x161: {  	s31 =	simm.s32 $0x5880  }
0x162: {  	[tilespmem:s31], [sflag:$0x1] =	stream.indirect_vreg.gather [hbm4b:s6+s3], $0x80, v4, vm0, $0xb8;
	[tilespmem:$0x10080] =	vst v63  }
0x163: {  	s30 =	simm.s32 $0x6080  }
0x164: {  	[tilespmem:s30], [sflag:$0x1] =	stream.indirect_vreg.gather [hbm4b:s2+s3], $0x80, v3, vm0, $0xb8;
	[tilespmem:$0x10080] =	vst v63  }
0x165: {  	s0 =	simm.s32 $0x6880  }
0x166: {  	[tilespmem:s0], [sflag:$0x1] =	stream.indirect_vreg.gather [hbm4b:s4+s3], $0x80, v3, vm0, $0xb8;
	[tilespmem:$0x10080] =	vst v63  }
0x167: {  	s1 =	simm.s32 $0x7080  }
0x168: {  	[tilespmem:s1], [sflag:$0x1] =	stream.indirect_vreg.gather [hbm4b:s5+s3], $0x80, v3, vm0, $0xb8;
	[tilespmem:$0x10080] =	vst v63  }
0x169: {  	s21 =	simm.s32 $0x7880  }
0x16a: {  	[tilespmem:s21], [sflag:$0x1] =	stream.indirect_vreg.gather [hbm4b:s6+s3], $0x80, v3, vm0, $0xb8;
	[tilespmem:$0x10080] =	vst v63  }
0x16b: {  	v3 =	vld [tilespmem:$0x20];
	_ =	sdelay $0x4  }
0x16c: {  	v54 =	vshll.u32 v3, $0x3  }
0x16d: {  	v3 =	vand.u32 $0x7, v3;
	v4 =	vand.u32 $0xFFFFFFC0, v54  }
0x16e: {  	v3 =	vor.u32 v3, v4  }
0x16f: {  	v4 =	vperm.xlane v3, v0;
	_ =	sdelay $0x1  }
0x170: {  	v4 =	vadd.s32 v1, v4;
	_ =	sdelay $0x3  }
0x171: {  	s25 =	simm.s32 $0x8080  }
0x172: {  	[tilespmem:s25], [sflag:$0x1] =	stream.indirect_vreg.gather [hbm4b:s2+s3], $0x80, v4, vm0, $0xb8;
	[tilespmem:$0x10080] =	vst v63  }
0x173: {  	s26 =	simm.s32 $0x8880;
	v3 =	vperm.xlane v3, v2  }
0x174: {  	[tilespmem:s26], [sflag:$0x1] =	stream.indirect_vreg.gather [hbm4b:s4+s3], $0x80, v4, vm0, $0xb8;
	[tilespmem:$0x10080] =	vst v63  }
0x175: {  	s9 =	simm.s32 $0x9080;
	v3 =	vadd.s32 v1, v3  }
0x176: {  	[tilespmem:s9], [sflag:$0x1] =	stream.indirect_vreg.gather [hbm4b:s5+s3], $0x80, v4, vm0, $0xb8;
	[tilespmem:$0x10080] =	vst v63  }
0x177: {  	s16 =	simm.s32 $0x9880  }
0x178: {  	[tilespmem:s16], [sflag:$0x1] =	stream.indirect_vreg.gather [hbm4b:s6+s3], $0x80, v4, vm0, $0xb8;
	[tilespmem:$0x10080] =	vst v63  }
0x179: {  	s17 =	simm.s32 $0xA080  }
0x17a: {  	[tilespmem:s17], [sflag:$0x1] =	stream.indirect_vreg.gather [hbm4b:s2+s3], $0x80, v3, vm0, $0xb8;
	[tilespmem:$0x10080] =	vst v63  }
0x17b: {  	s29 =	simm.s32 $0xA880  }
0x17c: {  	[tilespmem:s29], [sflag:$0x1] =	stream.indirect_vreg.gather [hbm4b:s4+s3], $0x80, v3, vm0, $0xb8;
	[tilespmem:$0x10080] =	vst v63  }
0x17d: {  	s15 =	simm.s32 $0xB080  }
0x17e: {  	[tilespmem:s15], [sflag:$0x1] =	stream.indirect_vreg.gather [hbm4b:s5+s3], $0x80, v3, vm0, $0xb8;
	[tilespmem:$0x10080] =	vst v63  }
0x17f: {  	s24 =	simm.s32 $0xB880  }
0x180: {  	[tilespmem:s24], [sflag:$0x1] =	stream.indirect_vreg.gather [hbm4b:s6+s3], $0x80, v3, vm0, $0xb8;
	[tilespmem:$0x10080] =	vst v63  }
0x181: {  	v3 =	vld [tilespmem:$0x30];
	_ =	sdelay $0x4  }
0x182: {  	v55 =	vshll.u32 v3, $0x3  }
0x183: {  	v3 =	vand.u32 $0x7, v3;
	v4 =	vand.u32 $0xFFFFFFC0, v55  }
0x184: {  	v3 =	vor.u32 v3, v4  }
0x185: {  	v4 =	vperm.xlane v3, v0;
	_ =	sdelay $0x1  }
0x186: {  	v4 =	vadd.s32 v1, v4;
	_ =	sdelay $0x3  }
0x187: {  	s28 =	simm.s32 $0xC080  }
0x188: {  	[tilespmem:s28], [sflag:$0x1] =	stream.indirect_vreg.gather [hbm4b:s2+s3], $0x80, v4, vm0, $0xb8;
	[tilespmem:$0x10080] =	vst v63  }
0x189: {  	v3 =	vperm.xlane v3, v2;
	s28 =	simm.s32 $0xC880  }
0x18a: {  	[tilespmem:s28], [sflag:$0x1] =	stream.indirect_vreg.gather [hbm4b:s4+s3], $0x80, v4, vm0, $0xb8;
	[tilespmem:$0x10080] =	vst v63  }
0x18b: {  	s10 =	simm.s32 $0xD080;
	v3 =	vadd.s32 v1, v3  }
0x18c: {  	[tilespmem:s10], [sflag:$0x1] =	stream.indirect_vreg.gather [hbm4b:s5+s3], $0x80, v4, vm0, $0xb8;
	[tilespmem:$0x10080] =	vst v63  }
0x18d: {  	s11 =	simm.s32 $0xD880  }
0x18e: {  	[tilespmem:s11], [sflag:$0x1] =	stream.indirect_vreg.gather [hbm4b:s6+s3], $0x80, v4, vm0, $0xb8;
	[tilespmem:$0x10080] =	vst v63  }
0x18f: {  	s12 =	simm.s32 $0xE080  }
0x190: {  	[tilespmem:s12], [sflag:$0x1] =	stream.indirect_vreg.gather [hbm4b:s2+s3], $0x80, v3, vm0, $0xb8;
	[tilespmem:$0x10080] =	vst v63  }
0x191: {  	s20 =	simm.s32 $0xE880  }
0x192: {  	[tilespmem:s20], [sflag:$0x1] =	stream.indirect_vreg.gather [hbm4b:s4+s3], $0x80, v3, vm0, $0xb8;
	[tilespmem:$0x10080] =	vst v63  }
0x193: {  	s22 =	simm.s32 $0xF080  }
0x194: {  	[tilespmem:s22], [sflag:$0x1] =	stream.indirect_vreg.gather [hbm4b:s5+s3], $0x80, v3, vm0, $0xb8;
	[tilespmem:$0x10080] =	vst v63  }
0x195: {  	s13 =	simm.s32 $0xF880  }
0x196: {  	[tilespmem:s13], [sflag:$0x1] =	stream.indirect_vreg.gather [hbm4b:s6+s3], $0x80, v3, vm0, $0xb8;
	[tilespmem:$0x10080] =	vst v63  }
0x197: {  	_ =	swait.ge [sflag:s18], $0x10000  }
0x198: {  	[sflag:s18] =	ssyncset.done $0x0  }
0x199: {  	s29 =	rddreg [dreg:$0xa];
	[sflag:s18] =	ssyncadd.s32 $0xFFFF0000  }
0x19a: {  	[hbm4b:s29+s3] =	stream.linear.scatter [tilespmem:s14], [sflag:$0x2], $0x10000, $0x38;
	[tilespmem:$0x10080] =	vst v63  }
0x19b: {  	_ =	swait.ge [sflag:s8], $0x10000  }
0x19c: {  	[sflag:s8] =	ssyncset.done $0x0  }
0x19d: {  	s13 =	rddreg [dreg:$0xb];
	[sflag:s8] =	ssyncadd.s32 $0xFFFF0000  }
0x19e: {  	[tilespmem:s3], [sflag:$0x2] =	stream.linear.gather [hbm4b:s13+s3], $0x40, $0x38;
	[tilespmem:$0x10080] =	vst v63  }
0x19f: {  	_ =	swait.ge [sflag:s8], $0x40  }
0x1a0: {  	[sflag:s8] =	ssyncset.done $0x0  }
0x1a1: {  	[sflag:s8] =	ssyncadd.s32 $0xFFFFFFC0  }
0x1a2: {  	v3 =	vld [tilespmem:$0x0];
	_ =	sdelay $0x4  }
0x1a3: {  	v56 =	vshll.u32 v3, $0x3  }
0x1a4: {  	v3 =	vand.u32 $0x7, v3;
	v4 =	vand.u32 $0xFFFFFFC0, v56  }
0x1a5: {  	v3 =	vor.u32 v3, v4  }
0x1a6: {  	v4 =	vperm.xlane v3, v0;
	_ =	sdelay $0x1  }
0x1a7: {  	v4 =	vadd.s32 v1, v4;
	_ =	sdelay $0x4  }
0x1a8: {  	[tilespmem:s14], [sflag:$0x1] =	stream.indirect_vreg.gather [hbm4b:s2+s3], $0x80, v4, vm0, $0xb8;
	[tilespmem:$0x10080] =	vst v63  }
0x1a9: {  	s22 =	simm.s32 $0x880;
	v3 =	vperm.xlane v3, v2  }
0x1aa: {  	[tilespmem:s22], [sflag:$0x1] =	stream.indirect_vreg.gather [hbm4b:s4+s3], $0x80, v4, vm0, $0xb8;
	[tilespmem:$0x10080] =	vst v63  }
0x1ab: {  	s28 =	simm.s32 $0x1080;
	v3 =	vadd.s32 v1, v3  }
0x1ac: {  	[tilespmem:s28], [sflag:$0x1] =	stream.indirect_vreg.gather [hbm4b:s5+s3], $0x80, v4, vm0, $0xb8;
	[tilespmem:$0x10080] =	vst v63  }
0x1ad: {  	s29 =	simm.s32 $0x1880  }
0x1ae: {  	[tilespmem:s29], [sflag:$0x1] =	stream.indirect_vreg.gather [hbm4b:s6+s3], $0x80, v4, vm0, $0xb8;
	[tilespmem:$0x10080] =	vst v63  }
0x1af: {  	s19 =	simm.s32 $0x2080  }
0x1b0: {  	[tilespmem:s19], [sflag:$0x1] =	stream.indirect_vreg.gather [hbm4b:s2+s3], $0x80, v3, vm0, $0xb8;
	[tilespmem:$0x10080] =	vst v63  }
0x1b1: {  	s22 =	simm.s32 $0x2880  }
0x1b2: {  	[tilespmem:s22], [sflag:$0x1] =	stream.indirect_vreg.gather [hbm4b:s4+s3], $0x80, v3, vm0, $0xb8;
	[tilespmem:$0x10080] =	vst v63  }
0x1b3: {  	s19 =	simm.s32 $0x3080  }
0x1b4: {  	[tilespmem:s19], [sflag:$0x1] =	stream.indirect_vreg.gather [hbm4b:s5+s3], $0x80, v3, vm0, $0xb8;
	[tilespmem:$0x10080] =	vst v63  }
0x1b5: {  	s22 =	simm.s32 $0x3880  }
0x1b6: {  	[tilespmem:s22], [sflag:$0x1] =	stream.indirect_vreg.gather [hbm4b:s6+s3], $0x80, v3, vm0, $0xb8;
	[tilespmem:$0x10080] =	vst v63  }
0x1b7: {  	v3 =	vld [tilespmem:$0x10];
	_ =	sdelay $0x4  }
0x1b8: {  	v57 =	vshll.u32 v3, $0x3  }
0x1b9: {  	v3 =	vand.u32 $0x7, v3;
	v4 =	vand.u32 $0xFFFFFFC0, v57  }
0x1ba: {  	v3 =	vor.u32 v3, v4  }
0x1bb: {  	v4 =	vperm.xlane v3, v0;
	_ =	sdelay $0x1  }
0x1bc: {  	v4 =	vadd.s32 v1, v4;
	_ =	sdelay $0x3  }
0x1bd: {  	s23 =	simm.s32 $0x4080  }
0x1be: {  	[tilespmem:s23], [sflag:$0x1] =	stream.indirect_vreg.gather [hbm4b:s2+s3], $0x80, v4, vm0, $0xb8;
	[tilespmem:$0x10080] =	vst v63  }
0x1bf: {  	v3 =	vperm.xlane v3, v2;
	s23 =	simm.s32 $0x4880  }
0x1c0: {  	[tilespmem:s23], [sflag:$0x1] =	stream.indirect_vreg.gather [hbm4b:s4+s3], $0x80, v4, vm0, $0xb8;
	[tilespmem:$0x10080] =	vst v63  }
0x1c1: {  	s19 =	simm.s32 $0x5080;
	v3 =	vadd.s32 v1, v3  }
0x1c2: {  	[tilespmem:s19], [sflag:$0x1] =	stream.indirect_vreg.gather [hbm4b:s5+s3], $0x80, v4, vm0, $0xb8;
	[tilespmem:$0x10080] =	vst v63  }
0x1c3: {  	s31 =	simm.s32 $0x5880  }
0x1c4: {  	[tilespmem:s31], [sflag:$0x1] =	stream.indirect_vreg.gather [hbm4b:s6+s3], $0x80, v4, vm0, $0xb8;
	[tilespmem:$0x10080] =	vst v63  }
0x1c5: {  	s23 =	simm.s32 $0x6080  }
0x1c6: {  	[tilespmem:s23], [sflag:$0x1] =	stream.indirect_vreg.gather [hbm4b:s2+s3], $0x80, v3, vm0, $0xb8;
	[tilespmem:$0x10080] =	vst v63  }
0x1c7: {  	s0 =	simm.s32 $0x6880  }
0x1c8: {  	[tilespmem:s0], [sflag:$0x1] =	stream.indirect_vreg.gather [hbm4b:s4+s3], $0x80, v3, vm0, $0xb8;
	[tilespmem:$0x10080] =	vst v63  }
0x1c9: {  	s1 =	simm.s32 $0x7080  }
0x1ca: {  	[tilespmem:s1], [sflag:$0x1] =	stream.indirect_vreg.gather [hbm4b:s5+s3], $0x80, v3, vm0, $0xb8;
	[tilespmem:$0x10080] =	vst v63  }
0x1cb: {  	s21 =	simm.s32 $0x7880  }
0x1cc: {  	[tilespmem:s21], [sflag:$0x1] =	stream.indirect_vreg.gather [hbm4b:s6+s3], $0x80, v3, vm0, $0xb8;
	[tilespmem:$0x10080] =	vst v63  }
0x1cd: {  	v3 =	vld [tilespmem:$0x20];
	_ =	sdelay $0x4  }
0x1ce: {  	v58 =	vshll.u32 v3, $0x3  }
0x1cf: {  	v3 =	vand.u32 $0x7, v3;
	v4 =	vand.u32 $0xFFFFFFC0, v58  }
0x1d0: {  	v3 =	vor.u32 v3, v4  }
0x1d1: {  	v4 =	vperm.xlane v3, v0;
	_ =	sdelay $0x1  }
0x1d2: {  	v4 =	vadd.s32 v1, v4;
	_ =	sdelay $0x3  }
0x1d3: {  	s25 =	simm.s32 $0x8080  }
0x1d4: {  	[tilespmem:s25], [sflag:$0x1] =	stream.indirect_vreg.gather [hbm4b:s2+s3], $0x80, v4, vm0, $0xb8;
	[tilespmem:$0x10080] =	vst v63  }
0x1d5: {  	s26 =	simm.s32 $0x8880;
	v3 =	vperm.xlane v3, v2  }
0x1d6: {  	[tilespmem:s26], [sflag:$0x1] =	stream.indirect_vreg.gather [hbm4b:s4+s3], $0x80, v4, vm0, $0xb8;
	[tilespmem:$0x10080] =	vst v63  }
0x1d7: {  	s9 =	simm.s32 $0x9080;
	v3 =	vadd.s32 v1, v3  }
0x1d8: {  	[tilespmem:s9], [sflag:$0x1] =	stream.indirect_vreg.gather [hbm4b:s5+s3], $0x80, v4, vm0, $0xb8;
	[tilespmem:$0x10080] =	vst v63  }
0x1d9: {  	s16 =	simm.s32 $0x9880  }
0x1da: {  	[tilespmem:s16], [sflag:$0x1] =	stream.indirect_vreg.gather [hbm4b:s6+s3], $0x80, v4, vm0, $0xb8;
	[tilespmem:$0x10080] =	vst v63  }
0x1db: {  	s17 =	simm.s32 $0xA080  }
0x1dc: {  	[tilespmem:s17], [sflag:$0x1] =	stream.indirect_vreg.gather [hbm4b:s2+s3], $0x80, v3, vm0, $0xb8;
	[tilespmem:$0x10080] =	vst v63  }
0x1dd: {  	s30 =	simm.s32 $0xA880  }
0x1de: {  	[tilespmem:s30], [sflag:$0x1] =	stream.indirect_vreg.gather [hbm4b:s4+s3], $0x80, v3, vm0, $0xb8;
	[tilespmem:$0x10080] =	vst v63  }
0x1df: {  	s15 =	simm.s32 $0xB080  }
0x1e0: {  	[tilespmem:s15], [sflag:$0x1] =	stream.indirect_vreg.gather [hbm4b:s5+s3], $0x80, v3, vm0, $0xb8;
	[tilespmem:$0x10080] =	vst v63  }
0x1e1: {  	s19 =	simm.s32 $0xB880  }
0x1e2: {  	[tilespmem:s19], [sflag:$0x1] =	stream.indirect_vreg.gather [hbm4b:s6+s3], $0x80, v3, vm0, $0xb8;
	[tilespmem:$0x10080] =	vst v63  }
0x1e3: {  	v3 =	vld [tilespmem:$0x30];
	_ =	sdelay $0x4  }
0x1e4: {  	v59 =	vshll.u32 v3, $0x3  }
0x1e5: {  	v3 =	vand.u32 $0x7, v3;
	v4 =	vand.u32 $0xFFFFFFC0, v59  }
0x1e6: {  	v3 =	vor.u32 v3, v4  }
0x1e7: {  	v4 =	vperm.xlane v3, v0;
	_ =	sdelay $0x1  }
0x1e8: {  	v4 =	vadd.s32 v1, v4;
	_ =	sdelay $0x3  }
0x1e9: {  	s17 =	simm.s32 $0xC080  }
0x1ea: {  	[tilespmem:s17], [sflag:$0x1] =	stream.indirect_vreg.gather [hbm4b:s2+s3], $0x80, v4, vm0, $0xb8;
	[tilespmem:$0x10080] =	vst v63  }
0x1eb: {  	s19 =	simm.s32 $0xC880;
	v3 =	vperm.xlane v3, v2  }
0x1ec: {  	[tilespmem:s19], [sflag:$0x1] =	stream.indirect_vreg.gather [hbm4b:s4+s3], $0x80, v4, vm0, $0xb8;
	[tilespmem:$0x10080] =	vst v63  }
0x1ed: {  	s10 =	simm.s32 $0xD080;
	v3 =	vadd.s32 v1, v3  }
0x1ee: {  	[tilespmem:s10], [sflag:$0x1] =	stream.indirect_vreg.gather [hbm4b:s5+s3], $0x80, v4, vm0, $0xb8;
	[tilespmem:$0x10080] =	vst v63  }
0x1ef: {  	s11 =	simm.s32 $0xD880  }
0x1f0: {  	[tilespmem:s11], [sflag:$0x1] =	stream.indirect_vreg.gather [hbm4b:s6+s3], $0x80, v4, vm0, $0xb8;
	[tilespmem:$0x10080] =	vst v63  }
0x1f1: {  	s12 =	simm.s32 $0xE080  }
0x1f2: {  	[tilespmem:s12], [sflag:$0x1] =	stream.indirect_vreg.gather [hbm4b:s2+s3], $0x80, v3, vm0, $0xb8;
	[tilespmem:$0x10080] =	vst v63  }
0x1f3: {  	s20 =	simm.s32 $0xE880  }
0x1f4: {  	[tilespmem:s20], [sflag:$0x1] =	stream.indirect_vreg.gather [hbm4b:s4+s3], $0x80, v3, vm0, $0xb8;
	[tilespmem:$0x10080] =	vst v63  }
0x1f5: {  	s24 =	simm.s32 $0xF080  }
0x1f6: {  	[tilespmem:s24], [sflag:$0x1] =	stream.indirect_vreg.gather [hbm4b:s5+s3], $0x80, v3, vm0, $0xb8;
	[tilespmem:$0x10080] =	vst v63  }
0x1f7: {  	s20 =	simm.s32 $0xF880  }
0x1f8: {  	[tilespmem:s20], [sflag:$0x1] =	stream.indirect_vreg.gather [hbm4b:s6+s3], $0x80, v3, vm0, $0xb8;
	[tilespmem:$0x10080] =	vst v63  }
0x1f9: {  	_ =	swait.ge [sflag:s18], $0x10000  }
0x1fa: {  	[sflag:s18] =	ssyncset.done $0x0  }
0x1fb: {  	s24 =	rddreg [dreg:$0xc];
	[sflag:s18] =	ssyncadd.s32 $0xFFFF0000  }
0x1fc: {  	[hbm4b:s24+s3] =	stream.linear.scatter [tilespmem:s14], [sflag:$0x2], $0x10000, $0x38;
	[tilespmem:$0x10080] =	vst v63  }
0x1fd: {  	_ =	swait.ge [sflag:s8], $0x10000  }
0x1fe: {  	[sflag:s8] =	ssyncset.done $0x0  }
0x1ff: {  	s24 =	rddreg [dreg:$0xd];
	[sflag:s8] =	ssyncadd.s32 $0xFFFF0000  }
0x200: {  	[tilespmem:s3], [sflag:$0x2] =	stream.linear.gather [hbm4b:s24+s3], $0x40, $0x38;
	[tilespmem:$0x10080] =	vst v63  }
0x201: {  	_ =	swait.ge [sflag:s8], $0x40  }
0x202: {  	[sflag:s8] =	ssyncset.done $0x0  }
0x203: {  	[sflag:s8] =	ssyncadd.s32 $0xFFFFFFC0  }
0x204: {  	v3 =	vld [tilespmem:$0x0];
	_ =	sdelay $0x4  }
0x205: {  	v60 =	vshll.u32 v3, $0x3  }
0x206: {  	v3 =	vand.u32 $0x7, v3;
	v4 =	vand.u32 $0xFFFFFFC0, v60  }
0x207: {  	v3 =	vor.u32 v3, v4  }
0x208: {  	v4 =	vperm.xlane v3, v0;
	_ =	sdelay $0x1  }
0x209: {  	v4 =	vadd.s32 v1, v4;
	_ =	sdelay $0x4  }
0x20a: {  	[tilespmem:s14], [sflag:$0x1] =	stream.indirect_vreg.gather [hbm4b:s2+s3], $0x80, v4, vm0, $0xb8;
	[tilespmem:$0x10080] =	vst v63  }
0x20b: {  	s24 =	simm.s32 $0x880;
	v3 =	vperm.xlane v3, v2  }
0x20c: {  	[tilespmem:s24], [sflag:$0x1] =	stream.indirect_vreg.gather [hbm4b:s4+s3], $0x80, v4, vm0, $0xb8;
	[tilespmem:$0x10080] =	vst v63  }
0x20d: {  	s28 =	simm.s32 $0x1080;
	v3 =	vadd.s32 v1, v3  }
0x20e: {  	[tilespmem:s28], [sflag:$0x1] =	stream.indirect_vreg.gather [hbm4b:s5+s3], $0x80, v4, vm0, $0xb8;
	[tilespmem:$0x10080] =	vst v63  }
0x20f: {  	s29 =	simm.s32 $0x1880  }
0x210: {  	[tilespmem:s29], [sflag:$0x1] =	stream.indirect_vreg.gather [hbm4b:s6+s3], $0x80, v4, vm0, $0xb8;
	[tilespmem:$0x10080] =	vst v63  }
0x211: {  	s28 =	simm.s32 $0x2080  }
0x212: {  	[tilespmem:s28], [sflag:$0x1] =	stream.indirect_vreg.gather [hbm4b:s2+s3], $0x80, v3, vm0, $0xb8;
	[tilespmem:$0x10080] =	vst v63  }
0x213: {  	s29 =	simm.s32 $0x2880  }
0x214: {  	[tilespmem:s29], [sflag:$0x1] =	stream.indirect_vreg.gather [hbm4b:s4+s3], $0x80, v3, vm0, $0xb8;
	[tilespmem:$0x10080] =	vst v63  }
0x215: {  	s24 =	simm.s32 $0x3080  }
0x216: {  	[tilespmem:s24], [sflag:$0x1] =	stream.indirect_vreg.gather [hbm4b:s5+s3], $0x80, v3, vm0, $0xb8;
	[tilespmem:$0x10080] =	vst v63  }
0x217: {  	s28 =	simm.s32 $0x3880  }
0x218: {  	[tilespmem:s28], [sflag:$0x1] =	stream.indirect_vreg.gather [hbm4b:s6+s3], $0x80, v3, vm0, $0xb8;
	[tilespmem:$0x10080] =	vst v63  }
0x219: {  	v3 =	vld [tilespmem:$0x10];
	_ =	sdelay $0x4  }
0x21a: {  	v61 =	vshll.u32 v3, $0x3  }
0x21b: {  	v3 =	vand.u32 $0x7, v3;
	v4 =	vand.u32 $0xFFFFFFC0, v61  }
0x21c: {  	v3 =	vor.u32 v3, v4  }
0x21d: {  	v4 =	vperm.xlane v3, v0;
	_ =	sdelay $0x1  }
0x21e: {  	v4 =	vadd.s32 v1, v4;
	_ =	sdelay $0x3  }
0x21f: {  	s22 =	simm.s32 $0x4080  }
0x220: {  	[tilespmem:s22], [sflag:$0x1] =	stream.indirect_vreg.gather [hbm4b:s2+s3], $0x80, v4, vm0, $0xb8;
	[tilespmem:$0x10080] =	vst v63  }
0x221: {  	s29 =	simm.s32 $0x4880;
	v3 =	vperm.xlane v3, v2  }
0x222: {  	[tilespmem:s29], [sflag:$0x1] =	stream.indirect_vreg.gather [hbm4b:s4+s3], $0x80, v4, vm0, $0xb8;
	[tilespmem:$0x10080] =	vst v63  }
0x223: {  	v3 =	vadd.s32 v1, v3;
	s22 =	simm.s32 $0x5080  }
0x224: {  	[tilespmem:s22], [sflag:$0x1] =	stream.indirect_vreg.gather [hbm4b:s5+s3], $0x80, v4, vm0, $0xb8;
	[tilespmem:$0x10080] =	vst v63  }
0x225: {  	s31 =	simm.s32 $0x5880  }
0x226: {  	[tilespmem:s31], [sflag:$0x1] =	stream.indirect_vreg.gather [hbm4b:s6+s3], $0x80, v4, vm0, $0xb8;
	[tilespmem:$0x10080] =	vst v63  }
0x227: {  	s24 =	simm.s32 $0x6080  }
0x228: {  	[tilespmem:s24], [sflag:$0x1] =	stream.indirect_vreg.gather [hbm4b:s2+s3], $0x80, v3, vm0, $0xb8;
	[tilespmem:$0x10080] =	vst v63  }
0x229: {  	s13 =	simm.s32 $0x6880  }
0x22a: {  	[tilespmem:s13], [sflag:$0x1] =	stream.indirect_vreg.gather [hbm4b:s4+s3], $0x80, v3, vm0, $0xb8;
	[tilespmem:$0x10080] =	vst v63  }
0x22b: {  	s0 =	simm.s32 $0x7080  }
0x22c: {  	[tilespmem:s0], [sflag:$0x1] =	stream.indirect_vreg.gather [hbm4b:s5+s3], $0x80, v3, vm0, $0xb8;
	[tilespmem:$0x10080] =	vst v63  }
0x22d: {  	s23 =	simm.s32 $0x7880  }
0x22e: {  	[tilespmem:s23], [sflag:$0x1] =	stream.indirect_vreg.gather [hbm4b:s6+s3], $0x80, v3, vm0, $0xb8;
	[tilespmem:$0x10080] =	vst v63  }
0x22f: {  	v3 =	vld [tilespmem:$0x20];
	_ =	sdelay $0x4  }
0x230: {  	v62 =	vshll.u32 v3, $0x3  }
0x231: {  	v3 =	vand.u32 $0x7, v3;
	v4 =	vand.u32 $0xFFFFFFC0, v62  }
0x232: {  	v3 =	vor.u32 v3, v4  }
0x233: {  	v4 =	vperm.xlane v3, v0;
	_ =	sdelay $0x1  }
0x234: {  	v4 =	vadd.s32 v1, v4;
	_ =	sdelay $0x3  }
0x235: {  	s21 =	simm.s32 $0x8080  }
0x236: {  	[tilespmem:s21], [sflag:$0x1] =	stream.indirect_vreg.gather [hbm4b:s2+s3], $0x80, v4, vm0, $0xb8;
	[tilespmem:$0x10080] =	vst v63  }
0x237: {  	s25 =	simm.s32 $0x8880;
	v3 =	vperm.xlane v3, v2  }
0x238: {  	[tilespmem:s25], [sflag:$0x1] =	stream.indirect_vreg.gather [hbm4b:s4+s3], $0x80, v4, vm0, $0xb8;
	[tilespmem:$0x10080] =	vst v63  }
0x239: {  	s1 =	simm.s32 $0x9080;
	v3 =	vadd.s32 v1, v3  }
0x23a: {  	[tilespmem:s1], [sflag:$0x1] =	stream.indirect_vreg.gather [hbm4b:s5+s3], $0x80, v4, vm0, $0xb8;
	[tilespmem:$0x10080] =	vst v63  }
0x23b: {  	s9 =	simm.s32 $0x9880  }
0x23c: {  	[tilespmem:s9], [sflag:$0x1] =	stream.indirect_vreg.gather [hbm4b:s6+s3], $0x80, v4, vm0, $0xb8;
	[tilespmem:$0x10080] =	vst v63  }
0x23d: {  	s26 =	simm.s32 $0xA080  }
0x23e: {  	[tilespmem:s26], [sflag:$0x1] =	stream.indirect_vreg.gather [hbm4b:s2+s3], $0x80, v3, vm0, $0xb8;
	[tilespmem:$0x10080] =	vst v63  }
0x23f: {  	s30 =	simm.s32 $0xA880  }
0x240: {  	[tilespmem:s30], [sflag:$0x1] =	stream.indirect_vreg.gather [hbm4b:s4+s3], $0x80, v3, vm0, $0xb8;
	[tilespmem:$0x10080] =	vst v63  }
0x241: {  	s16 =	simm.s32 $0xB080  }
0x242: {  	[tilespmem:s16], [sflag:$0x1] =	stream.indirect_vreg.gather [hbm4b:s5+s3], $0x80, v3, vm0, $0xb8;
	[tilespmem:$0x10080] =	vst v63  }
0x243: {  	s28 =	simm.s32 $0xB880  }
0x244: {  	[tilespmem:s28], [sflag:$0x1] =	stream.indirect_vreg.gather [hbm4b:s6+s3], $0x80, v3, vm0, $0xb8;
	[tilespmem:$0x10080] =	vst v63  }
0x245: {  	v3 =	vld [tilespmem:$0x30];
	_ =	sdelay $0x4  }
0x246: {  	v63 =	vshll.u32 v3, $0x3  }
0x247: {  	v3 =	vand.u32 $0x7, v3;
	v4 =	vand.u32 $0xFFFFFFC0, v63  }
0x248: {  	v3 =	vor.u32 v3, v4  }
0x249: {  	v4 =	vperm.xlane v3, v0;
	_ =	sdelay $0x1  }
0x24a: {  	v4 =	vadd.s32 v1, v4;
	_ =	sdelay $0x3  }
0x24b: {  	s29 =	simm.s32 $0xC080  }
0x24c: {  	[tilespmem:s29], [sflag:$0x1] =	stream.indirect_vreg.gather [hbm4b:s2+s3], $0x80, v4, vm0, $0xb8;
	[tilespmem:$0x10080] =	vst v63  }
0x24d: {  	s30 =	simm.s32 $0xC880;
	v3 =	vperm.xlane v3, v2  }
0x24e: {  	[tilespmem:s30], [sflag:$0x1] =	stream.indirect_vreg.gather [hbm4b:s4+s3], $0x80, v4, vm0, $0xb8;
	[tilespmem:$0x10080] =	vst v63  }
0x24f: {  	s15 =	simm.s32 $0xD080;
	v3 =	vadd.s32 v1, v3  }
0x250: {  	[tilespmem:s15], [sflag:$0x1] =	stream.indirect_vreg.gather [hbm4b:s5+s3], $0x80, v4, vm0, $0xb8;
	[tilespmem:$0x10080] =	vst v63  }
0x251: {  	s10 =	simm.s32 $0xD880  }
0x252: {  	[tilespmem:s10], [sflag:$0x1] =	stream.indirect_vreg.gather [hbm4b:s6+s3], $0x80, v4, vm0, $0xb8;
	[tilespmem:$0x10080] =	vst v63  }
0x253: {  	s11 =	simm.s32 $0xE080  }
0x254: {  	[tilespmem:s11], [sflag:$0x1] =	stream.indirect_vreg.gather [hbm4b:s2+s3], $0x80, v3, vm0, $0xb8;
	[tilespmem:$0x10080] =	vst v63  }
0x255: {  	s12 =	simm.s32 $0xE880  }
0x256: {  	[tilespmem:s12], [sflag:$0x1] =	stream.indirect_vreg.gather [hbm4b:s4+s3], $0x80, v3, vm0, $0xb8;
	[tilespmem:$0x10080] =	vst v63  }
0x257: {  	s17 =	simm.s32 $0xF080  }
0x258: {  	[tilespmem:s17], [sflag:$0x1] =	stream.indirect_vreg.gather [hbm4b:s5+s3], $0x80, v3, vm0, $0xb8;
	[tilespmem:$0x10080] =	vst v63  }
0x259: {  	s20 =	simm.s32 $0xF880  }
0x25a: {  	[tilespmem:s20], [sflag:$0x1] =	stream.indirect_vreg.gather [hbm4b:s6+s3], $0x80, v3, vm0, $0xb8;
	[tilespmem:$0x10080] =	vst v63  }
0x25b: {  	_ =	swait.ge [sflag:s18], $0x10000  }
0x25c: {  	p0 =	sne.s32 s7, $0x1;
	[sflag:s18] =	ssyncset.done $0x0  }
.Ltmp0:
0x25d: {  	s31 =	rddreg [dreg:$0xe];
	[sflag:s18] =	ssyncadd.s32 $0xFFFF0000;
	(pc) =	sbr.rel @p0 .LBB2_1-.Ltmp0, $4  }
0x25e: {  	[hbm4b:s31+s3] =	stream.linear.scatter [tilespmem:s14], [sflag:$0x2], $0x10000, $0x38;
	[tilespmem:$0x10080] =	vst v63  }
0x25f: {  	_ =	swait.ge [sflag:s8], $0x10000  }
0x260: {  	[sflag:s8] =	ssyncset.done $0x0  }
0x261: {  	s7 =	sadd.s32 $0xFFFFFFFF, s7;
	[sflag:s8] =	ssyncadd.s32 $0xFFFF0000  }
0x262: {  	_ =	sfence.sel $0x180000  }
0x263: {  	[bflag:$0x0] =	sbarrier.arrive $0xFFFF  }
0x264: {  	_ =	strace $0x90000047  }
0x265: {  	s0 =	stileid.u32;
	[bflag:$0x2] =	sbarrier.arrive $0xFFFF  }
0x266: {  	p0 =	sne.s32 s0, $0x0;
	s0 =	rddreg [dreg:$0x2]  }
0x267: {  	s0 =	sadd.s32 @!p0 $0x100000, s0  }
0x268: {  	[sflag:s0] =	ssyncadd.tile.s32 @!p0 $0x1;
	_ =	shalt  }
.Lfunc_end2:
_tile_overlayer_lowered:
.L_overlay_start_2:
0x269: {  	(tag) =	ssettag $0x2  }
0x26a: {  	s0 =	rddreg [dreg:$0x0];
	s2 =	stileid.u32  }
0x26b: {  	s1 =	rddreg [dreg:$0x1];
	p0 =	sne.s32 s2, $0x0  }
0x26c: {  	s3 =	rddreg [dreg:$0x2];
	[bflag:$0x3] =	sbarrier.arrive $0xFFFF;
	s2 =	simm.s32 @!p0 $0x1C02  }
0x26d: {  	[timem:s3], [sflag:s2] =	dma.local @!p0 [hbm:s0], s1  }
0x26e: {  	s0 =	simm.s32 @!p0 $0x2  }
0x26f: {  	_ =	swait.ge @!p0 [sflag:s0], s1  }
0x270: {  	s1 =	ssub.s32 @!p0 $0x0, s1;
	[sflag:s0] =	ssyncset.done @!p0 $0x0  }
0x271: {  	[sflag:s0] =	ssyncadd.s32 @!p0 s1  }
0x272: {  	[bflag:$0x3] =	sbarrier.arrive $0xFFFF  }
0x273: {  	_ =	shalt  }

</sc_bundles>
